<compile_context>
chip_gen: v7x
topology: tpu7x:2x2x1
jax: 0.10.2.dev20260603
libtpu: 0.0.44.dev20260713+nightly
codegen_flags: <defaults>
</compile_context>

<pallas_src>
import functools

import jax
import jax.numpy as jnp
from jax import lax
from jax.experimental import pallas as pl
from jax.experimental.pallas import tpu as pltpu
from jax.experimental.pallas import tpu_sc as plsc

N = 10000
E = 160000
DF = 128
DE = 4
OC = 8
G = 256

NC = 2
NS = 16
NW = NC * NS
CH = 128
EH = E // 2
NCHH = EH // CH
CPT = NCHH // NW
EXTRA = NCHH - CPT * NW


def _sc_mesh():
    return plsc.VectorSubcoreMesh(
        core_axis_name="c", subcore_axis_name="s",
        num_cores=NC, num_subcores=NS)


@functools.cache
def _gather_rows_kernel():
    return pl.kernel(
        _gather_body,
        out_type=jax.ShapeDtypeStruct((EH, DF), jnp.float32),
        mesh=_sc_mesh(),
        scratch_types=[
            pltpu.VMEM((CH,), jnp.int32),
            pltpu.VMEM((CH, DF), jnp.float32),
            pltpu.SemaphoreType.DMA,
        ],
    )


def _gather_body(x_hbm, src_hbm, out_hbm, idx_v, rows_v, sem):
    wid = lax.axis_index("s") * NC + lax.axis_index("c")

    def chunk(off):
        pltpu.sync_copy(src_hbm.at[pl.ds(off, CH)], idx_v)
        pltpu.async_copy(x_hbm.at[idx_v], rows_v, sem).wait()
        pltpu.sync_copy(rows_v, out_hbm.at[pl.ds(off, CH)])

    def body(c, carry):
        chunk((wid * CPT + c) * CH)
        return carry

    lax.fori_loop(0, CPT, body, 0)

    @pl.when(wid < EXTRA)
    def _extra():
        chunk((NW * CPT + wid) * CH)


@functools.cache
def _scatter_add_kernel():
    return pl.kernel(
        _scatter_body,
        out_type=jax.ShapeDtypeStruct((2 * N, DF), jnp.float32),
        mesh=_sc_mesh(),
        scratch_types=[
            pltpu.VMEM((1, CH), jnp.int32),
            pltpu.VMEM((CH, DF), jnp.float32),
            pltpu.VMEM_SHARED((N, DF), jnp.float32),
            pltpu.SemaphoreType.DMA,
        ],
    )


def _scatter_body(msg_hbm, dst_hbm, zero_hbm, out_hbm, idx_v, val_v, acc_sh, sem):
    cid = lax.axis_index("c")
    sid = lax.axis_index("s")
    wid = sid * NC + cid
    ZR = N // 10

    @pl.when(sid < 10)
    def _zero():
        pltpu.sync_copy(zero_hbm.at[pl.ds(sid * ZR, ZR)],
                        acc_sh.at[pl.ds(sid * ZR, ZR)])

    plsc.subcore_barrier()

    def chunk(off):
        pltpu.sync_copy(dst_hbm.at[pl.ds(off, CH)], idx_v.at[0])
        pltpu.sync_copy(msg_hbm.at[pl.ds(off, CH)], val_v)
        pltpu.async_copy(val_v, acc_sh.at[idx_v.at[0]], sem, add=True).wait()

    def body(c, carry):
        chunk((wid * CPT + c) * CH)
        return carry

    lax.fori_loop(0, CPT, body, 0)

    @pl.when(wid < EXTRA)
    def _extra():
        chunk((NW * CPT + wid) * CH)

    plsc.subcore_barrier()

    @pl.when(sid < 10)
    def _flush():
        pltpu.sync_copy(acc_sh.at[pl.ds(sid * ZR, ZR)],
                        out_hbm.at[pl.ds(cid * N + sid * ZR, ZR)])


B = 2000


def _msg_body(ea_ref, xs_ref, w_ref, b_ref, out_ref):
    ea = ea_ref[...]
    xs = xs_ref[...]
    lin = jnp.broadcast_to(b_ref[...], (B, OC * DF))
    for d in range(DE):
        lin = lin + ea[:, d:d + 1] * w_ref[d:d + 1, :]
    t = jnp.maximum(lin, 0.0)
    prod = t * jnp.concatenate([xs] * OC, axis=1)
    parts = [jnp.sum(prod[:, o * DF:(o + 1) * DF], axis=1, keepdims=True)
             for o in range(OC)]
    parts.append(jnp.zeros((B, DF - OC), jnp.float32))
    out_ref[...] = jnp.concatenate(parts, axis=1)


def _messages(edge_attr, xs, W1p, b1p):
    return pl.pallas_call(
        _msg_body,
        grid=(EH // B,),
        in_specs=[
            pl.BlockSpec((B, DE), lambda i: (i, 0)),
            pl.BlockSpec((B, DF), lambda i: (i, 0)),
            pl.BlockSpec((DE, OC * DF), lambda i: (0, 0)),
            pl.BlockSpec((1, OC * DF), lambda i: (0, 0)),
        ],
        out_specs=pl.BlockSpec((B, DF), lambda i: (i, 0)),
        out_shape=jax.ShapeDtypeStruct((EH, DF), jnp.float32),
        compiler_params=pltpu.CompilerParams(
            dimension_semantics=("parallel",)),
    )(edge_attr, xs, W1p, b1p)


CK = 2000


def _tail_body(a2_ref, b2_ref, x_ref, root_ref, bc_ref, gm_ref, bt_ref,
               batch_ref, wo_ref, bo_ref, out_ref):
    aggr = (a2_ref[0:N, 0:OC] + a2_ref[N:2 * N, 0:OC]
            + b2_ref[0:N, 0:OC] + b2_ref[N:2 * N, 0:OC])
    h = aggr + jnp.dot(x_ref[...], root_ref[...],
                       precision=lax.Precision.HIGHEST,
                       preferred_element_type=jnp.float32) + bc_ref[...]
    h = jnp.maximum(h, 0.0)
    mean = jnp.mean(h, axis=0, keepdims=True)
    var = jnp.mean(h * h, axis=0, keepdims=True) - mean * mean
    hn = gm_ref[...] * (h - mean) * lax.rsqrt(var + 1e-5) + bt_ref[...]
    gids = lax.broadcasted_iota(jnp.int32, (G, 1), 0)
    pooled = jnp.zeros((G, OC), jnp.float32)
    for k in range(N // CK):
        bk = batch_ref[0:1, k * CK:(k + 1) * CK]
        oh = (jnp.broadcast_to(bk, (G, CK)) == gids).astype(jnp.float32)
        pooled = pooled + lax.dot_general(
            oh, hn[k * CK:(k + 1) * CK, :],
            (((1,), (0,)), ((), ())), precision=lax.Precision.HIGHEST,
            preferred_element_type=jnp.float32)
    pr = jnp.maximum(pooled, 0.0)
    out_ref[...] = jnp.sum(pr * wo_ref[...], axis=1, keepdims=True) + bo_ref[...]


def _tail(a2, b2, x, root, bias_conv, gamma, beta, batch_row, W_out_row, b_out):
    return pl.pallas_call(
        _tail_body,
        out_shape=jax.ShapeDtypeStruct((G, 1), jnp.float32),
    )(a2, b2, x, root, bias_conv, gamma, beta, batch_row, W_out_row, b_out)


@jax.jit
def kernel(x, edge_index, edge_attr, batch, W1, b1, root, bias_conv,
           gamma, beta, W_out, b_out):
    src = edge_index[0].astype(jnp.int32)
    dst = edge_index[1].astype(jnp.int32)
    W1p = W1.reshape(DE, DF, OC).transpose(0, 2, 1).reshape(DE, OC * DF)
    b1p = b1.reshape(DF, OC).T.reshape(1, OC * DF)
    zeros = jnp.zeros((N, DF), jnp.float32)

    gather = _gather_rows_kernel()
    scatter = _scatter_add_kernel()
    xsA = gather(x, src[:EH])
    xsB = gather(x, src[EH:])
    msgA = _messages(edge_attr[:EH], xsA, W1p, b1p)
    a2A = scatter(msgA, dst[:EH], zeros)
    msgB = _messages(edge_attr[EH:], xsB, W1p, b1p)
    a2B = scatter(msgB, dst[EH:], zeros)
    out = _tail(a2A, a2B, x, root,
                bias_conv.reshape(1, OC), gamma.reshape(1, OC),
                beta.reshape(1, OC),
                batch.astype(jnp.int32).reshape(1, N),
                W_out.reshape(1, OC), b_out.reshape(1, 1))
    return out

# --- scband reference (transcript-rebuilt; emitter-appended) ---
"""Pipeline reference for scband-chemi-net-53283364274341 (READ-ONLY COPY).

The authoritative reference and input builder live on the scoring server;
editing this copy changes nothing except your own understanding.
"""

import jax, jax.numpy as jnp
import numpy as np

N = 10000      # nodes
E = 160000     # edges
DF = 128       # NUMBER_ATOMIC_GRAPH_FEATURES
DE = 4         # NUMBER_BOND_GRAPH_FEATURES
OC = 8         # output_channels
G = 256        # number of graphs in the batch


def setup_inputs(seed: int = 0) -> dict:
    key = jax.random.key(seed)
    ks = jax.random.split(key, 10)
    x = jax.random.normal(ks[0], (N, DF), dtype=jnp.float32)
    edge_index = jax.random.randint(ks[1], (2, E), 0, N)
    edge_attr = jax.random.normal(ks[2], (E, DE), dtype=jnp.float32)
    batch = jnp.sort(jax.random.randint(ks[3], (N,), 0, G))
    # lin1: Linear(DE, DF*OC) followed by ReLU (edge-conditioned weight net)
    W1 = jax.random.normal(ks[4], (DE, DF * OC), dtype=jnp.float32) * 0.1
    b1 = jnp.zeros((DF * OC,), dtype=jnp.float32)
    # NNConv root weight and bias
    root = jax.random.normal(ks[5], (DF, OC), dtype=jnp.float32) * 0.05
    bias_conv = jnp.zeros((OC,), dtype=jnp.float32)
    # BatchNorm1d(OC)
    gamma = jnp.ones((OC,), dtype=jnp.float32)
    beta = jnp.zeros((OC,), dtype=jnp.float32)
    # output_layer: ReLU -> Linear(OC, 1)
    W_out = jax.random.normal(ks[6], (OC, 1), dtype=jnp.float32) * 0.1
    b_out = jnp.zeros((1,), dtype=jnp.float32)
    return {
        'x': x, 'edge_index': edge_index, 'edge_attr': edge_attr, 'batch': batch,
        'W1': W1, 'b1': b1, 'root': root, 'bias_conv': bias_conv,
        'gamma': gamma, 'beta': beta, 'W_out': W_out, 'b_out': b_out,
    }


def reference(x, edge_index, edge_attr, batch, W1, b1, root, bias_conv, gamma, beta, W_out, b_out):
    src = edge_index[0]
    dst = edge_index[1]
    # NNConv: edge-conditioned weights via lin1 = Linear + ReLU
    edge_w = jax.nn.relu(edge_attr @ W1 + b1).reshape(E, DF, OC)
    # message: x_j (1 x DF) @ W_e (DF x OC) per edge; gather x at src
    msg = jnp.einsum('ef,efo->eo', jnp.take(x, src, axis=0), edge_w)
    # aggregate (add) at dst, plus root transform and bias
    aggr = jax.ops.segment_sum(msg, dst, num_segments=N)
    h = aggr + x @ root + bias_conv
    # outer ReLU
    h = jax.nn.relu(h)
    # BatchNorm1d (training-mode batch statistics)
    mean = jnp.mean(h, axis=0)
    var = jnp.var(h, axis=0)
    h = gamma * (h - mean) / jnp.sqrt(var + 1e-5) + beta
    # dropout(p=0.2) treated as identity for determinism
    # global_add_pool over batch ids
    pooled = jax.ops.segment_sum(h, batch, num_segments=G)
    # output_layer: ReLU -> Linear(OC, 1)
    out = jax.nn.relu(pooled) @ W_out + b_out
    return out

if __name__ == "__main__":
    import jax
    _d = setup_inputs()
    print(jax.jit(kernel)(*tuple(_d.values())))

</pallas_src>

<mosaic_0001>
#map = affine_map<(d0, d1) -> (0, 0)>
#map1 = affine_map<(d0, d1) -> (0)>
module attributes {stable_mosaic.version = 14 : i64} {
  func.func @_scatter_body(%arg0: i32, %arg1: i32, %arg2: memref<80000x128xf32, #tpu.memory_space<hbm>>, %arg3: memref<80000xi32, #tpu.memory_space<hbm>>, %arg4: memref<10000x128xf32, #tpu.memory_space<hbm>>, %arg5: memref<20000x128xf32, #tpu.memory_space<hbm>>, %arg6: memref<1x128xi32, #tpu.memory_space<vmem>>, %arg7: memref<128x128xf32, #tpu.memory_space<vmem>>, %arg8: memref<10000x128xf32, #tpu.memory_space<vmem_shared>>, %arg9: memref<!tpu.dma_semaphore, #tpu.memory_space<semaphore_mem>>) attributes {dimension_semantics = [#tpu.dimension_semantics<core_parallel>, #tpu.dimension_semantics<subcore_parallel>], iteration_bounds = array<i64: 2, 16>, scalar_prefetch = 0 : i64, scratch_operands = 4 : i64, tpu.core_type = #tpu.core_type<sc_vector_subcore>, window_params = [{transform_indices = #map}, {transform_indices = #map1}, {transform_indices = #map}, {transform_indices = #map}]} {
    %mul3A = arith.constant 2 : i32
    %mul3A_0 = arith.muli %arg1, %mul3A : i32
    %add3A = arith.addi %mul3A_0, %arg0 : i32
    %lt3A = arith.constant 10 : i32
    %lt3A_1 = arith.cmpi slt, %arg1, %lt3A : i32
    %convert_element_type3A = arith.extui %lt3A_1 : i1 to i32
    %cond3A = arith.constant 0 : i32
    %cond3A_2 = arith.cmpi ne, %convert_element_type3A, %cond3A : i32
    scf.if %cond3A_2 {
      %mul3A_19 = arith.constant 1000 : i32
      %mul3A_20 = arith.muli %arg1, %mul3A_19 : i32
      %mul3A_21 = arith.constant 1000 : i32
      %mul3A_22 = arith.muli %arg1, %mul3A_21 : i32
      "tpu.region"() ({
        %run_scoped3A = tpu.sem_alloc : memref<!tpu.dma_semaphore, #tpu.memory_space<semaphore_mem>>
        %dma_start3A = arith.constant 0 : i32
        %dma_start3A_23 = tpu.memref_slice %arg8[%mul3A_22, %dma_start3A] : memref<10000x128xf32, #tpu.memory_space<vmem_shared>> -> memref<1000x128xf32, #tpu.memory_space<vmem_shared>>
        %dma_start3A_24 = arith.constant 0 : i32
        %dma_start3A_25 = tpu.memref_slice %arg4[%mul3A_20, %dma_start3A_24] : memref<10000x128xf32, #tpu.memory_space<hbm>> -> memref<1000x128xf32, #tpu.memory_space<hbm>>
        tpu.enqueue_dma source(%dma_start3A_25 : memref<1000x128xf32, #tpu.memory_space<hbm>>) target(%dma_start3A_23 : memref<1000x128xf32, #tpu.memory_space<vmem_shared>>) target_semaphore(%run_scoped3A : memref<!tpu.dma_semaphore, #tpu.memory_space<semaphore_mem>>)
        %dma_wait3A = arith.constant 0 : i32
        %dma_wait3A_26 = tpu.memref_slice %arg8[%mul3A_22, %dma_wait3A] : memref<10000x128xf32, #tpu.memory_space<vmem_shared>> -> memref<1000x128xf32, #tpu.memory_space<vmem_shared>>
        %dma_wait3A_27 = arith.constant 0 : i32
        %dma_wait3A_28 = tpu.memref_slice %arg4[%mul3A_20, %dma_wait3A_27] : memref<10000x128xf32, #tpu.memory_space<hbm>> -> memref<1000x128xf32, #tpu.memory_space<hbm>>
        tpu.wait_dma2 semaphore(%run_scoped3A : memref<!tpu.dma_semaphore, #tpu.memory_space<semaphore_mem>>) src(%dma_wait3A_28 : memref<1000x128xf32, #tpu.memory_space<hbm>>) dst(%dma_wait3A_26 : memref<1000x128xf32, #tpu.memory_space<vmem_shared>>)
        tpu.yield
      }) : () -> ()
    } else {
    }
    %barrier3A = arith.constant 0 : index
    tpu.barrier barrier_id(%barrier3A)
    %scan3A = arith.constant 0 : i32
    %scan3A_3 = arith.constant 0 : i32
    %scan3A_4 = arith.constant 19 : i32
    %scan3A_5 = arith.addi %scan3A_3, %scan3A_4 : i32
    %scan3A_6 = arith.constant 1 : i32
    scf.for %scan3A_19 = %scan3A_3 to %scan3A_5 step %scan3A_6  : i32 {
      %mul3A_20 = arith.constant 19 : i32
      %mul3A_21 = arith.muli %add3A, %mul3A_20 : i32
      %add3A_22 = arith.addi %mul3A_21, %scan3A_19 : i32
      %mul3A_23 = arith.constant 128 : i32
      %mul3A_24 = arith.muli %add3A_22, %mul3A_23 : i32
      %run_scoped3A = arith.constant 0 : i32
      "tpu.region"() ({
        %run_scoped3A_37 = tpu.sem_alloc : memref<!tpu.dma_semaphore, #tpu.memory_space<semaphore_mem>>
        %dma_start3A_38 = arith.constant 0 : i32
        %dma_start3A_39 = tpu.memref_slice %arg6[%run_scoped3A, %dma_start3A_38] : memref<1x128xi32, #tpu.memory_space<vmem>> -> memref<1x128xi32, #tpu.memory_space<vmem>>
        %dma_start3A_40 = tpu.memref_squeeze %dma_start3A_39 : memref<1x128xi32, #tpu.memory_space<vmem>> -> memref<128xi32, #tpu.memory_space<vmem>>
        %dma_start3A_41 = tpu.memref_slice %arg3[%mul3A_24] : memref<80000xi32, #tpu.memory_space<hbm>> -> memref<128xi32, #tpu.memory_space<hbm>>
        %dma_start3A_42 = arith.constant 0 : i32
        %dma_start3A_43 = tpu.memref_slice %arg6[%run_scoped3A, %dma_start3A_42] : memref<1x128xi32, #tpu.memory_space<vmem>> -> memref<1x128xi32, #tpu.memory_space<vmem>>
        %dma_start3A_44 = tpu.memref_squeeze %dma_start3A_43 : memref<1x128xi32, #tpu.memory_space<vmem>> -> memref<128xi32, #tpu.memory_space<vmem>>
        %dma_start3A_45 = tpu.memref_slice %arg3[%mul3A_24] : memref<80000xi32, #tpu.memory_space<hbm>> -> memref<128xi32, #tpu.memory_space<hbm>>
        tpu.enqueue_dma source(%dma_start3A_45 : memref<128xi32, #tpu.memory_space<hbm>>) target(%dma_start3A_44 : memref<128xi32, #tpu.memory_space<vmem>>) target_semaphore(%run_scoped3A_37 : memref<!tpu.dma_semaphore, #tpu.memory_space<semaphore_mem>>)
        %dma_wait3A_46 = arith.constant 0 : i32
        %dma_wait3A_47 = tpu.memref_slice %arg6[%run_scoped3A, %dma_wait3A_46] : memref<1x128xi32, #tpu.memory_space<vmem>> -> memref<1x128xi32, #tpu.memory_space<vmem>>
        %dma_wait3A_48 = tpu.memref_squeeze %dma_wait3A_47 : memref<1x128xi32, #tpu.memory_space<vmem>> -> memref<128xi32, #tpu.memory_space<vmem>>
        %dma_wait3A_49 = tpu.memref_slice %arg3[%mul3A_24] : memref<80000xi32, #tpu.memory_space<hbm>> -> memref<128xi32, #tpu.memory_space<hbm>>
        %dma_wait3A_50 = arith.constant 0 : i32
        %dma_wait3A_51 = tpu.memref_slice %arg6[%run_scoped3A, %dma_wait3A_50] : memref<1x128xi32, #tpu.memory_space<vmem>> -> memref<1x128xi32, #tpu.memory_space<vmem>>
        %dma_wait3A_52 = tpu.memref_squeeze %dma_wait3A_51 : memref<1x128xi32, #tpu.memory_space<vmem>> -> memref<128xi32, #tpu.memory_space<vmem>>
        %dma_wait3A_53 = tpu.memref_slice %arg3[%mul3A_24] : memref<80000xi32, #tpu.memory_space<hbm>> -> memref<128xi32, #tpu.memory_space<hbm>>
        tpu.wait_dma2 semaphore(%run_scoped3A_37 : memref<!tpu.dma_semaphore, #tpu.memory_space<semaphore_mem>>) src(%dma_wait3A_53 : memref<128xi32, #tpu.memory_space<hbm>>) dst(%dma_wait3A_52 : memref<128xi32, #tpu.memory_space<vmem>>)
        tpu.yield
      }) : () -> ()
      "tpu.region"() ({
        %run_scoped3A_37 = tpu.sem_alloc : memref<!tpu.dma_semaphore, #tpu.memory_space<semaphore_mem>>
        %dma_start3A_38 = arith.constant 0 : i32
        %dma_start3A_39 = tpu.memref_slice %arg2[%mul3A_24, %dma_start3A_38] : memref<80000x128xf32, #tpu.memory_space<hbm>> -> memref<128x128xf32, #tpu.memory_space<hbm>>
        %dma_start3A_40 = arith.constant 0 : i32
        %dma_start3A_41 = tpu.memref_slice %arg2[%mul3A_24, %dma_start3A_40] : memref<80000x128xf32, #tpu.memory_space<hbm>> -> memref<128x128xf32, #tpu.memory_space<hbm>>
        tpu.enqueue_dma source(%dma_start3A_41 : memref<128x128xf32, #tpu.memory_space<hbm>>) target(%arg7 : memref<128x128xf32, #tpu.memory_space<vmem>>) target_semaphore(%run_scoped3A_37 : memref<!tpu.dma_semaphore, #tpu.memory_space<semaphore_mem>>)
        %dma_wait3A_42 = arith.constant 0 : i32
        %dma_wait3A_43 = tpu.memref_slice %arg2[%mul3A_24, %dma_wait3A_42] : memref<80000x128xf32, #tpu.memory_space<hbm>> -> memref<128x128xf32, #tpu.memory_space<hbm>>
        %dma_wait3A_44 = arith.constant 0 : i32
        %dma_wait3A_45 = tpu.memref_slice %arg2[%mul3A_24, %dma_wait3A_44] : memref<80000x128xf32, #tpu.memory_space<hbm>> -> memref<128x128xf32, #tpu.memory_space<hbm>>
        tpu.wait_dma2 semaphore(%run_scoped3A_37 : memref<!tpu.dma_semaphore, #tpu.memory_space<semaphore_mem>>) src(%dma_wait3A_45 : memref<128x128xf32, #tpu.memory_space<hbm>>) dst(%arg7 : memref<128x128xf32, #tpu.memory_space<vmem>>)
        tpu.yield
      }) : () -> ()
      %dma_start3A = arith.constant 0 : i32
      %dma_start3A_25 = arith.constant 0 : i32
      %dma_start3A_26 = tpu.memref_slice %arg6[%dma_start3A, %dma_start3A_25] : memref<1x128xi32, #tpu.memory_space<vmem>> -> memref<1x128xi32, #tpu.memory_space<vmem>>
      %dma_start3A_27 = tpu.memref_squeeze %dma_start3A_26 : memref<1x128xi32, #tpu.memory_space<vmem>> -> memref<128xi32, #tpu.memory_space<vmem>>
      %dma_start3A_28 = arith.constant 0 : i32
      %dma_start3A_29 = arith.constant 0 : i32
      %dma_start3A_30 = tpu.memref_slice %arg8[%dma_start3A_28, %dma_start3A_29] : memref<10000x128xf32, #tpu.memory_space<vmem_shared>> -> memref<10000x128xf32, #tpu.memory_space<vmem_shared>>
      tpu.enqueue_indirect_dma source(%arg7 : memref<128x128xf32, #tpu.memory_space<vmem>>) target(%dma_start3A_30 : memref<10000x128xf32, #tpu.memory_space<vmem_shared>>) offsets(%dma_start3A_27 : memref<128xi32, #tpu.memory_space<vmem>>) semaphore(%arg9 : memref<!tpu.dma_semaphore, #tpu.memory_space<semaphore_mem>>) {add = true}
      %dma_wait3A = arith.constant 0 : i32
      %dma_wait3A_31 = arith.constant 0 : i32
      %dma_wait3A_32 = tpu.memref_slice %arg6[%dma_wait3A, %dma_wait3A_31] : memref<1x128xi32, #tpu.memory_space<vmem>> -> memref<1x128xi32, #tpu.memory_space<vmem>>
      %dma_wait3A_33 = tpu.memref_squeeze %dma_wait3A_32 : memref<1x128xi32, #tpu.memory_space<vmem>> -> memref<128xi32, #tpu.memory_space<vmem>>
      %dma_wait3A_34 = arith.constant 0 : i32
      %dma_wait3A_35 = arith.constant 0 : i32
      %dma_wait3A_36 = tpu.memref_slice %arg8[%dma_wait3A_34, %dma_wait3A_35] : memref<10000x128xf32, #tpu.memory_space<vmem_shared>> -> memref<10000x128xf32, #tpu.memory_space<vmem_shared>>
      tpu.wait_indirect_dma semaphore(%arg9 : memref<!tpu.dma_semaphore, #tpu.memory_space<semaphore_mem>>) src(%arg7 : memref<128x128xf32, #tpu.memory_space<vmem>>) dst(%dma_wait3A_36 : memref<10000x128xf32, #tpu.memory_space<vmem_shared>>)
    }
    %scan3A_7 = arith.constant 19 : i32
    %lt3A_8 = arith.constant 17 : i32
    %lt3A_9 = arith.cmpi slt, %add3A, %lt3A_8 : i32
    %convert_element_type3A_10 = arith.extui %lt3A_9 : i1 to i32
    %cond3A_11 = arith.constant 0 : i32
    %cond3A_12 = arith.cmpi ne, %convert_element_type3A_10, %cond3A_11 : i32
    scf.if %cond3A_12 {
      %add3A_19 = arith.constant 608 : i32
      %add3A_20 = arith.addi %add3A_19, %add3A : i32
      %mul3A_21 = arith.constant 128 : i32
      %mul3A_22 = arith.muli %add3A_20, %mul3A_21 : i32
      %run_scoped3A = arith.constant 0 : i32
      "tpu.region"() ({
        %run_scoped3A_35 = tpu.sem_alloc : memref<!tpu.dma_semaphore, #tpu.memory_space<semaphore_mem>>
        %dma_start3A_36 = arith.constant 0 : i32
        %dma_start3A_37 = tpu.memref_slice %arg6[%run_scoped3A, %dma_start3A_36] : memref<1x128xi32, #tpu.memory_space<vmem>> -> memref<1x128xi32, #tpu.memory_space<vmem>>
        %dma_start3A_38 = tpu.memref_squeeze %dma_start3A_37 : memref<1x128xi32, #tpu.memory_space<vmem>> -> memref<128xi32, #tpu.memory_space<vmem>>
        %dma_start3A_39 = tpu.memref_slice %arg3[%mul3A_22] : memref<80000xi32, #tpu.memory_space<hbm>> -> memref<128xi32, #tpu.memory_space<hbm>>
        %dma_start3A_40 = arith.constant 0 : i32
        %dma_start3A_41 = tpu.memref_slice %arg6[%run_scoped3A, %dma_start3A_40] : memref<1x128xi32, #tpu.memory_space<vmem>> -> memref<1x128xi32, #tpu.memory_space<vmem>>
        %dma_start3A_42 = tpu.memref_squeeze %dma_start3A_41 : memref<1x128xi32, #tpu.memory_space<vmem>> -> memref<128xi32, #tpu.memory_space<vmem>>
        %dma_start3A_43 = tpu.memref_slice %arg3[%mul3A_22] : memref<80000xi32, #tpu.memory_space<hbm>> -> memref<128xi32, #tpu.memory_space<hbm>>
        tpu.enqueue_dma source(%dma_start3A_43 : memref<128xi32, #tpu.memory_space<hbm>>) target(%dma_start3A_42 : memref<128xi32, #tpu.memory_space<vmem>>) target_semaphore(%run_scoped3A_35 : memref<!tpu.dma_semaphore, #tpu.memory_space<semaphore_mem>>)
        %dma_wait3A_44 = arith.constant 0 : i32
        %dma_wait3A_45 = tpu.memref_slice %arg6[%run_scoped3A, %dma_wait3A_44] : memref<1x128xi32, #tpu.memory_space<vmem>> -> memref<1x128xi32, #tpu.memory_space<vmem>>
        %dma_wait3A_46 = tpu.memref_squeeze %dma_wait3A_45 : memref<1x128xi32, #tpu.memory_space<vmem>> -> memref<128xi32, #tpu.memory_space<vmem>>
        %dma_wait3A_47 = tpu.memref_slice %arg3[%mul3A_22] : memref<80000xi32, #tpu.memory_space<hbm>> -> memref<128xi32, #tpu.memory_space<hbm>>
        %dma_wait3A_48 = arith.constant 0 : i32
        %dma_wait3A_49 = tpu.memref_slice %arg6[%run_scoped3A, %dma_wait3A_48] : memref<1x128xi32, #tpu.memory_space<vmem>> -> memref<1x128xi32, #tpu.memory_space<vmem>>
        %dma_wait3A_50 = tpu.memref_squeeze %dma_wait3A_49 : memref<1x128xi32, #tpu.memory_space<vmem>> -> memref<128xi32, #tpu.memory_space<vmem>>
        %dma_wait3A_51 = tpu.memref_slice %arg3[%mul3A_22] : memref<80000xi32, #tpu.memory_space<hbm>> -> memref<128xi32, #tpu.memory_space<hbm>>
        tpu.wait_dma2 semaphore(%run_scoped3A_35 : memref<!tpu.dma_semaphore, #tpu.memory_space<semaphore_mem>>) src(%dma_wait3A_51 : memref<128xi32, #tpu.memory_space<hbm>>) dst(%dma_wait3A_50 : memref<128xi32, #tpu.memory_space<vmem>>)
        tpu.yield
      }) : () -> ()
      "tpu.region"() ({
        %run_scoped3A_35 = tpu.sem_alloc : memref<!tpu.dma_semaphore, #tpu.memory_space<semaphore_mem>>
        %dma_start3A_36 = arith.constant 0 : i32
        %dma_start3A_37 = tpu.memref_slice %arg2[%mul3A_22, %dma_start3A_36] : memref<80000x128xf32, #tpu.memory_space<hbm>> -> memref<128x128xf32, #tpu.memory_space<hbm>>
        %dma_start3A_38 = arith.constant 0 : i32
        %dma_start3A_39 = tpu.memref_slice %arg2[%mul3A_22, %dma_start3A_38] : memref<80000x128xf32, #tpu.memory_space<hbm>> -> memref<128x128xf32, #tpu.memory_space<hbm>>
        tpu.enqueue_dma source(%dma_start3A_39 : memref<128x128xf32, #tpu.memory_space<hbm>>) target(%arg7 : memref<128x128xf32, #tpu.memory_space<vmem>>) target_semaphore(%run_scoped3A_35 : memref<!tpu.dma_semaphore, #tpu.memory_space<semaphore_mem>>)
        %dma_wait3A_40 = arith.constant 0 : i32
        %dma_wait3A_41 = tpu.memref_slice %arg2[%mul3A_22, %dma_wait3A_40] : memref<80000x128xf32, #tpu.memory_space<hbm>> -> memref<128x128xf32, #tpu.memory_space<hbm>>
        %dma_wait3A_42 = arith.constant 0 : i32
        %dma_wait3A_43 = tpu.memref_slice %arg2[%mul3A_22, %dma_wait3A_42] : memref<80000x128xf32, #tpu.memory_space<hbm>> -> memref<128x128xf32, #tpu.memory_space<hbm>>
        tpu.wait_dma2 semaphore(%run_scoped3A_35 : memref<!tpu.dma_semaphore, #tpu.memory_space<semaphore_mem>>) src(%dma_wait3A_43 : memref<128x128xf32, #tpu.memory_space<hbm>>) dst(%arg7 : memref<128x128xf32, #tpu.memory_space<vmem>>)
        tpu.yield
      }) : () -> ()
      %dma_start3A = arith.constant 0 : i32
      %dma_start3A_23 = arith.constant 0 : i32
      %dma_start3A_24 = tpu.memref_slice %arg6[%dma_start3A, %dma_start3A_23] : memref<1x128xi32, #tpu.memory_space<vmem>> -> memref<1x128xi32, #tpu.memory_space<vmem>>
      %dma_start3A_25 = tpu.memref_squeeze %dma_start3A_24 : memref<1x128xi32, #tpu.memory_space<vmem>> -> memref<128xi32, #tpu.memory_space<vmem>>
      %dma_start3A_26 = arith.constant 0 : i32
      %dma_start3A_27 = arith.constant 0 : i32
      %dma_start3A_28 = tpu.memref_slice %arg8[%dma_start3A_26, %dma_start3A_27] : memref<10000x128xf32, #tpu.memory_space<vmem_shared>> -> memref<10000x128xf32, #tpu.memory_space<vmem_shared>>
      tpu.enqueue_indirect_dma source(%arg7 : memref<128x128xf32, #tpu.memory_space<vmem>>) target(%dma_start3A_28 : memref<10000x128xf32, #tpu.memory_space<vmem_shared>>) offsets(%dma_start3A_25 : memref<128xi32, #tpu.memory_space<vmem>>) semaphore(%arg9 : memref<!tpu.dma_semaphore, #tpu.memory_space<semaphore_mem>>) {add = true}
      %dma_wait3A = arith.constant 0 : i32
      %dma_wait3A_29 = arith.constant 0 : i32
      %dma_wait3A_30 = tpu.memref_slice %arg6[%dma_wait3A, %dma_wait3A_29] : memref<1x128xi32, #tpu.memory_space<vmem>> -> memref<1x128xi32, #tpu.memory_space<vmem>>
      %dma_wait3A_31 = tpu.memref_squeeze %dma_wait3A_30 : memref<1x128xi32, #tpu.memory_space<vmem>> -> memref<128xi32, #tpu.memory_space<vmem>>
      %dma_wait3A_32 = arith.constant 0 : i32
      %dma_wait3A_33 = arith.constant 0 : i32
      %dma_wait3A_34 = tpu.memref_slice %arg8[%dma_wait3A_32, %dma_wait3A_33] : memref<10000x128xf32, #tpu.memory_space<vmem_shared>> -> memref<10000x128xf32, #tpu.memory_space<vmem_shared>>
      tpu.wait_indirect_dma semaphore(%arg9 : memref<!tpu.dma_semaphore, #tpu.memory_space<semaphore_mem>>) src(%arg7 : memref<128x128xf32, #tpu.memory_space<vmem>>) dst(%dma_wait3A_34 : memref<10000x128xf32, #tpu.memory_space<vmem_shared>>)
    } else {
    }
    %barrier3A_13 = arith.constant 0 : index
    tpu.barrier barrier_id(%barrier3A_13)
    %lt3A_14 = arith.constant 10 : i32
    %lt3A_15 = arith.cmpi slt, %arg1, %lt3A_14 : i32
    %convert_element_type3A_16 = arith.extui %lt3A_15 : i1 to i32
    %cond3A_17 = arith.constant 0 : i32
    %cond3A_18 = arith.cmpi ne, %convert_element_type3A_16, %cond3A_17 : i32
    scf.if %cond3A_18 {
      %mul3A_19 = arith.constant 1000 : i32
      %mul3A_20 = arith.muli %arg1, %mul3A_19 : i32
      %mul3A_21 = arith.constant 10000 : i32
      %mul3A_22 = arith.muli %arg0, %mul3A_21 : i32
      %mul3A_23 = arith.constant 1000 : i32
      %mul3A_24 = arith.muli %arg1, %mul3A_23 : i32
      %add3A_25 = arith.addi %mul3A_22, %mul3A_24 : i32
      "tpu.region"() ({
        %run_scoped3A = tpu.sem_alloc : memref<!tpu.dma_semaphore, #tpu.memory_space<semaphore_mem>>
        %dma_start3A = arith.constant 0 : i32
        %dma_start3A_26 = tpu.memref_slice %arg5[%add3A_25, %dma_start3A] : memref<20000x128xf32, #tpu.memory_space<hbm>> -> memref<1000x128xf32, #tpu.memory_space<hbm>>
        %dma_start3A_27 = arith.constant 0 : i32
        %dma_start3A_28 = tpu.memref_slice %arg8[%mul3A_20, %dma_start3A_27] : memref<10000x128xf32, #tpu.memory_space<vmem_shared>> -> memref<1000x128xf32, #tpu.memory_space<vmem_shared>>
        tpu.enqueue_dma source(%dma_start3A_28 : memref<1000x128xf32, #tpu.memory_space<vmem_shared>>) target(%dma_start3A_26 : memref<1000x128xf32, #tpu.memory_space<hbm>>) target_semaphore(%run_scoped3A : memref<!tpu.dma_semaphore, #tpu.memory_space<semaphore_mem>>)
        %dma_wait3A = arith.constant 0 : i32
        %dma_wait3A_29 = tpu.memref_slice %arg5[%add3A_25, %dma_wait3A] : memref<20000x128xf32, #tpu.memory_space<hbm>> -> memref<1000x128xf32, #tpu.memory_space<hbm>>
        %dma_wait3A_30 = arith.constant 0 : i32
        %dma_wait3A_31 = tpu.memref_slice %arg8[%mul3A_20, %dma_wait3A_30] : memref<10000x128xf32, #tpu.memory_space<vmem_shared>> -> memref<1000x128xf32, #tpu.memory_space<vmem_shared>>
        tpu.wait_dma2 semaphore(%run_scoped3A : memref<!tpu.dma_semaphore, #tpu.memory_space<semaphore_mem>>) src(%dma_wait3A_31 : memref<1000x128xf32, #tpu.memory_space<vmem_shared>>) dst(%dma_wait3A_29 : memref<1000x128xf32, #tpu.memory_space<hbm>>)
        tpu.yield
      }) : () -> ()
    } else {
    }
    return
  }
}

#map = affine_map<(d0, d1) -> (0, 0)>
#map1 = affine_map<(d0, d1) -> (0)>
module attributes {stable_mosaic.version = 14 : i64} {
  func.func @_gather_body(%arg0: i32, %arg1: i32, %arg2: memref<10000x128xf32, #tpu.memory_space<hbm>>, %arg3: memref<80000xi32, #tpu.memory_space<hbm>>, %arg4: memref<80000x128xf32, #tpu.memory_space<hbm>>, %arg5: memref<128xi32, #tpu.memory_space<vmem>>, %arg6: memref<128x128xf32, #tpu.memory_space<vmem>>, %arg7: memref<!tpu.dma_semaphore, #tpu.memory_space<semaphore_mem>>) attributes {dimension_semantics = [#tpu.dimension_semantics<core_parallel>, #tpu.dimension_semantics<subcore_parallel>], iteration_bounds = array<i64: 2, 16>, scalar_prefetch = 0 : i64, scratch_operands = 3 : i64, tpu.core_type = #tpu.core_type<sc_vector_subcore>, window_params = [{transform_indices = #map}, {transform_indices = #map1}, {transform_indices = #map}]} {
    %mul3A = arith.constant 2 : i32
    %mul3A_0 = arith.muli %arg1, %mul3A : i32
    %add3A = arith.addi %mul3A_0, %arg0 : i32
    %scan3A = arith.constant 0 : i32
    %scan3A_1 = arith.constant 0 : i32
    %scan3A_2 = arith.constant 19 : i32
    %scan3A_3 = arith.addi %scan3A_1, %scan3A_2 : i32
    %scan3A_4 = arith.constant 1 : i32
    scf.for %scan3A_8 = %scan3A_1 to %scan3A_3 step %scan3A_4  : i32 {
      %mul3A_9 = arith.constant 19 : i32
      %mul3A_10 = arith.muli %add3A, %mul3A_9 : i32
      %add3A_11 = arith.addi %mul3A_10, %scan3A_8 : i32
      %mul3A_12 = arith.constant 128 : i32
      %mul3A_13 = arith.muli %add3A_11, %mul3A_12 : i32
      "tpu.region"() ({
        %run_scoped3A = tpu.sem_alloc : memref<!tpu.dma_semaphore, #tpu.memory_space<semaphore_mem>>
        %dma_start3A_18 = tpu.memref_slice %arg3[%mul3A_13] : memref<80000xi32, #tpu.memory_space<hbm>> -> memref<128xi32, #tpu.memory_space<hbm>>
        %dma_start3A_19 = tpu.memref_slice %arg3[%mul3A_13] : memref<80000xi32, #tpu.memory_space<hbm>> -> memref<128xi32, #tpu.memory_space<hbm>>
        tpu.enqueue_dma source(%dma_start3A_19 : memref<128xi32, #tpu.memory_space<hbm>>) target(%arg5 : memref<128xi32, #tpu.memory_space<vmem>>) target_semaphore(%run_scoped3A : memref<!tpu.dma_semaphore, #tpu.memory_space<semaphore_mem>>)
        %dma_wait3A_20 = tpu.memref_slice %arg3[%mul3A_13] : memref<80000xi32, #tpu.memory_space<hbm>> -> memref<128xi32, #tpu.memory_space<hbm>>
        %dma_wait3A_21 = tpu.memref_slice %arg3[%mul3A_13] : memref<80000xi32, #tpu.memory_space<hbm>> -> memref<128xi32, #tpu.memory_space<hbm>>
        tpu.wait_dma2 semaphore(%run_scoped3A : memref<!tpu.dma_semaphore, #tpu.memory_space<semaphore_mem>>) src(%dma_wait3A_21 : memref<128xi32, #tpu.memory_space<hbm>>) dst(%arg5 : memref<128xi32, #tpu.memory_space<vmem>>)
        tpu.yield
      }) : () -> ()
      %dma_start3A = arith.constant 0 : i32
      %dma_start3A_14 = arith.constant 0 : i32
      %dma_start3A_15 = tpu.memref_slice %arg2[%dma_start3A, %dma_start3A_14] : memref<10000x128xf32, #tpu.memory_space<hbm>> -> memref<10000x128xf32, #tpu.memory_space<hbm>>
      tpu.enqueue_indirect_dma source(%dma_start3A_15 : memref<10000x128xf32, #tpu.memory_space<hbm>>) target(%arg6 : memref<128x128xf32, #tpu.memory_space<vmem>>) offsets(%arg5 : memref<128xi32, #tpu.memory_space<vmem>>) semaphore(%arg7 : memref<!tpu.dma_semaphore, #tpu.memory_space<semaphore_mem>>)
      %dma_wait3A = arith.constant 0 : i32
      %dma_wait3A_16 = arith.constant 0 : i32
      %dma_wait3A_17 = tpu.memref_slice %arg2[%dma_wait3A, %dma_wait3A_16] : memref<10000x128xf32, #tpu.memory_space<hbm>> -> memref<10000x128xf32, #tpu.memory_space<hbm>>
      tpu.wait_indirect_dma semaphore(%arg7 : memref<!tpu.dma_semaphore, #tpu.memory_space<semaphore_mem>>) src(%dma_wait3A_17 : memref<10000x128xf32, #tpu.memory_space<hbm>>) dst(%arg6 : memref<128x128xf32, #tpu.memory_space<vmem>>)
      "tpu.region"() ({
        %run_scoped3A = tpu.sem_alloc : memref<!tpu.dma_semaphore, #tpu.memory_space<semaphore_mem>>
        %dma_start3A_18 = arith.constant 0 : i32
        %dma_start3A_19 = tpu.memref_slice %arg4[%mul3A_13, %dma_start3A_18] : memref<80000x128xf32, #tpu.memory_space<hbm>> -> memref<128x128xf32, #tpu.memory_space<hbm>>
        %dma_start3A_20 = arith.constant 0 : i32
        %dma_start3A_21 = tpu.memref_slice %arg4[%mul3A_13, %dma_start3A_20] : memref<80000x128xf32, #tpu.memory_space<hbm>> -> memref<128x128xf32, #tpu.memory_space<hbm>>
        tpu.enqueue_dma source(%arg6 : memref<128x128xf32, #tpu.memory_space<vmem>>) target(%dma_start3A_21 : memref<128x128xf32, #tpu.memory_space<hbm>>) target_semaphore(%run_scoped3A : memref<!tpu.dma_semaphore, #tpu.memory_space<semaphore_mem>>)
        %dma_wait3A_22 = arith.constant 0 : i32
        %dma_wait3A_23 = tpu.memref_slice %arg4[%mul3A_13, %dma_wait3A_22] : memref<80000x128xf32, #tpu.memory_space<hbm>> -> memref<128x128xf32, #tpu.memory_space<hbm>>
        %dma_wait3A_24 = arith.constant 0 : i32
        %dma_wait3A_25 = tpu.memref_slice %arg4[%mul3A_13, %dma_wait3A_24] : memref<80000x128xf32, #tpu.memory_space<hbm>> -> memref<128x128xf32, #tpu.memory_space<hbm>>
        tpu.wait_dma2 semaphore(%run_scoped3A : memref<!tpu.dma_semaphore, #tpu.memory_space<semaphore_mem>>) src(%arg6 : memref<128x128xf32, #tpu.memory_space<vmem>>) dst(%dma_wait3A_25 : memref<128x128xf32, #tpu.memory_space<hbm>>)
        tpu.yield
      }) : () -> ()
    }
    %scan3A_5 = arith.constant 19 : i32
    %lt3A = arith.constant 17 : i32
    %lt3A_6 = arith.cmpi slt, %add3A, %lt3A : i32
    %convert_element_type3A = arith.extui %lt3A_6 : i1 to i32
    %cond3A = arith.constant 0 : i32
    %cond3A_7 = arith.cmpi ne, %convert_element_type3A, %cond3A : i32
    scf.if %cond3A_7 {
      %add3A_8 = arith.constant 608 : i32
      %add3A_9 = arith.addi %add3A_8, %add3A : i32
      %mul3A_10 = arith.constant 128 : i32
      %mul3A_11 = arith.muli %add3A_9, %mul3A_10 : i32
      "tpu.region"() ({
        %run_scoped3A = tpu.sem_alloc : memref<!tpu.dma_semaphore, #tpu.memory_space<semaphore_mem>>
        %dma_start3A_16 = tpu.memref_slice %arg3[%mul3A_11] : memref<80000xi32, #tpu.memory_space<hbm>> -> memref<128xi32, #tpu.memory_space<hbm>>
        %dma_start3A_17 = tpu.memref_slice %arg3[%mul3A_11] : memref<80000xi32, #tpu.memory_space<hbm>> -> memref<128xi32, #tpu.memory_space<hbm>>
        tpu.enqueue_dma source(%dma_start3A_17 : memref<128xi32, #tpu.memory_space<hbm>>) target(%arg5 : memref<128xi32, #tpu.memory_space<vmem>>) target_semaphore(%run_scoped3A : memref<!tpu.dma_semaphore, #tpu.memory_space<semaphore_mem>>)
        %dma_wait3A_18 = tpu.memref_slice %arg3[%mul3A_11] : memref<80000xi32, #tpu.memory_space<hbm>> -> memref<128xi32, #tpu.memory_space<hbm>>
        %dma_wait3A_19 = tpu.memref_slice %arg3[%mul3A_11] : memref<80000xi32, #tpu.memory_space<hbm>> -> memref<128xi32, #tpu.memory_space<hbm>>
        tpu.wait_dma2 semaphore(%run_scoped3A : memref<!tpu.dma_semaphore, #tpu.memory_space<semaphore_mem>>) src(%dma_wait3A_19 : memref<128xi32, #tpu.memory_space<hbm>>) dst(%arg5 : memref<128xi32, #tpu.memory_space<vmem>>)
        tpu.yield
      }) : () -> ()
      %dma_start3A = arith.constant 0 : i32
      %dma_start3A_12 = arith.constant 0 : i32
      %dma_start3A_13 = tpu.memref_slice %arg2[%dma_start3A, %dma_start3A_12] : memref<10000x128xf32, #tpu.memory_space<hbm>> -> memref<10000x128xf32, #tpu.memory_space<hbm>>
      tpu.enqueue_indirect_dma source(%dma_start3A_13 : memref<10000x128xf32, #tpu.memory_space<hbm>>) target(%arg6 : memref<128x128xf32, #tpu.memory_space<vmem>>) offsets(%arg5 : memref<128xi32, #tpu.memory_space<vmem>>) semaphore(%arg7 : memref<!tpu.dma_semaphore, #tpu.memory_space<semaphore_mem>>)
      %dma_wait3A = arith.constant 0 : i32
      %dma_wait3A_14 = arith.constant 0 : i32
      %dma_wait3A_15 = tpu.memref_slice %arg2[%dma_wait3A, %dma_wait3A_14] : memref<10000x128xf32, #tpu.memory_space<hbm>> -> memref<10000x128xf32, #tpu.memory_space<hbm>>
      tpu.wait_indirect_dma semaphore(%arg7 : memref<!tpu.dma_semaphore, #tpu.memory_space<semaphore_mem>>) src(%dma_wait3A_15 : memref<10000x128xf32, #tpu.memory_space<hbm>>) dst(%arg6 : memref<128x128xf32, #tpu.memory_space<vmem>>)
      "tpu.region"() ({
        %run_scoped3A = tpu.sem_alloc : memref<!tpu.dma_semaphore, #tpu.memory_space<semaphore_mem>>
        %dma_start3A_16 = arith.constant 0 : i32
        %dma_start3A_17 = tpu.memref_slice %arg4[%mul3A_11, %dma_start3A_16] : memref<80000x128xf32, #tpu.memory_space<hbm>> -> memref<128x128xf32, #tpu.memory_space<hbm>>
        %dma_start3A_18 = arith.constant 0 : i32
        %dma_start3A_19 = tpu.memref_slice %arg4[%mul3A_11, %dma_start3A_18] : memref<80000x128xf32, #tpu.memory_space<hbm>> -> memref<128x128xf32, #tpu.memory_space<hbm>>
        tpu.enqueue_dma source(%arg6 : memref<128x128xf32, #tpu.memory_space<vmem>>) target(%dma_start3A_19 : memref<128x128xf32, #tpu.memory_space<hbm>>) target_semaphore(%run_scoped3A : memref<!tpu.dma_semaphore, #tpu.memory_space<semaphore_mem>>)
        %dma_wait3A_20 = arith.constant 0 : i32
        %dma_wait3A_21 = tpu.memref_slice %arg4[%mul3A_11, %dma_wait3A_20] : memref<80000x128xf32, #tpu.memory_space<hbm>> -> memref<128x128xf32, #tpu.memory_space<hbm>>
        %dma_wait3A_22 = arith.constant 0 : i32
        %dma_wait3A_23 = tpu.memref_slice %arg4[%mul3A_11, %dma_wait3A_22] : memref<80000x128xf32, #tpu.memory_space<hbm>> -> memref<128x128xf32, #tpu.memory_space<hbm>>
        tpu.wait_dma2 semaphore(%run_scoped3A : memref<!tpu.dma_semaphore, #tpu.memory_space<semaphore_mem>>) src(%arg6 : memref<128x128xf32, #tpu.memory_space<vmem>>) dst(%dma_wait3A_23 : memref<128x128xf32, #tpu.memory_space<hbm>>)
        tpu.yield
      }) : () -> ()
    } else {
    }
    return
  }
}

#map = affine_map<(d0, d1) -> (0, 0)>
#map1 = affine_map<(d0, d1) -> (0)>
module attributes {stable_mosaic.version = 14 : i64} {
  func.func @_scatter_body(%arg0: i32, %arg1: i32, %arg2: memref<80000x128xf32, #tpu.memory_space<hbm>>, %arg3: memref<80000xi32, #tpu.memory_space<hbm>>, %arg4: memref<10000x128xf32, #tpu.memory_space<hbm>>, %arg5: memref<20000x128xf32, #tpu.memory_space<hbm>>, %arg6: memref<1x128xi32, #tpu.memory_space<vmem>>, %arg7: memref<128x128xf32, #tpu.memory_space<vmem>>, %arg8: memref<10000x128xf32, #tpu.memory_space<vmem_shared>>, %arg9: memref<!tpu.dma_semaphore, #tpu.memory_space<semaphore_mem>>) attributes {dimension_semantics = [#tpu.dimension_semantics<core_parallel>, #tpu.dimension_semantics<subcore_parallel>], iteration_bounds = array<i64: 2, 16>, scalar_prefetch = 0 : i64, scratch_operands = 4 : i64, tpu.core_type = #tpu.core_type<sc_vector_subcore>, window_params = [{transform_indices = #map}, {transform_indices = #map1}, {transform_indices = #map}, {transform_indices = #map}]} {
    %mul3A = arith.constant 2 : i32
    %mul3A_0 = arith.muli %arg1, %mul3A : i32
    %add3A = arith.addi %mul3A_0, %arg0 : i32
    %lt3A = arith.constant 10 : i32
    %lt3A_1 = arith.cmpi slt, %arg1, %lt3A : i32
    %convert_element_type3A = arith.extui %lt3A_1 : i1 to i32
    %cond3A = arith.constant 0 : i32
    %cond3A_2 = arith.cmpi ne, %convert_element_type3A, %cond3A : i32
    scf.if %cond3A_2 {
      %mul3A_19 = arith.constant 1000 : i32
      %mul3A_20 = arith.muli %arg1, %mul3A_19 : i32
      %mul3A_21 = arith.constant 1000 : i32
      %mul3A_22 = arith.muli %arg1, %mul3A_21 : i32
      "tpu.region"() ({
        %run_scoped3A = tpu.sem_alloc : memref<!tpu.dma_semaphore, #tpu.memory_space<semaphore_mem>>
        %dma_start3A = arith.constant 0 : i32
        %dma_start3A_23 = tpu.memref_slice %arg8[%mul3A_22, %dma_start3A] : memref<10000x128xf32, #tpu.memory_space<vmem_shared>> -> memref<1000x128xf32, #tpu.memory_space<vmem_shared>>
        %dma_start3A_24 = arith.constant 0 : i32
        %dma_start3A_25 = tpu.memref_slice %arg4[%mul3A_20, %dma_start3A_24] : memref<10000x128xf32, #tpu.memory_space<hbm>> -> memref<1000x128xf32, #tpu.memory_space<hbm>>
        tpu.enqueue_dma source(%dma_start3A_25 : memref<1000x128xf32, #tpu.memory_space<hbm>>) target(%dma_start3A_23 : memref<1000x128xf32, #tpu.memory_space<vmem_shared>>) target_semaphore(%run_scoped3A : memref<!tpu.dma_semaphore, #tpu.memory_space<semaphore_mem>>)
        %dma_wait3A = arith.constant 0 : i32
        %dma_wait3A_26 = tpu.memref_slice %arg8[%mul3A_22, %dma_wait3A] : memref<10000x128xf32, #tpu.memory_space<vmem_shared>> -> memref<1000x128xf32, #tpu.memory_space<vmem_shared>>
        %dma_wait3A_27 = arith.constant 0 : i32
        %dma_wait3A_28 = tpu.memref_slice %arg4[%mul3A_20, %dma_wait3A_27] : memref<10000x128xf32, #tpu.memory_space<hbm>> -> memref<1000x128xf32, #tpu.memory_space<hbm>>
        tpu.wait_dma2 semaphore(%run_scoped3A : memref<!tpu.dma_semaphore, #tpu.memory_space<semaphore_mem>>) src(%dma_wait3A_28 : memref<1000x128xf32, #tpu.memory_space<hbm>>) dst(%dma_wait3A_26 : memref<1000x128xf32, #tpu.memory_space<vmem_shared>>)
        tpu.yield
      }) : () -> ()
    } else {
    }
    %barrier3A = arith.constant 0 : index
    tpu.barrier barrier_id(%barrier3A)
    %scan3A = arith.constant 0 : i32
    %scan3A_3 = arith.constant 0 : i32
    %scan3A_4 = arith.constant 19 : i32
    %scan3A_5 = arith.addi %scan3A_3, %scan3A_4 : i32
    %scan3A_6 = arith.constant 1 : i32
    scf.for %scan3A_19 = %scan3A_3 to %scan3A_5 step %scan3A_6  : i32 {
      %mul3A_20 = arith.constant 19 : i32
      %mul3A_21 = arith.muli %add3A, %mul3A_20 : i32
      %add3A_22 = arith.addi %mul3A_21, %scan3A_19 : i32
      %mul3A_23 = arith.constant 128 : i32
      %mul3A_24 = arith.muli %add3A_22, %mul3A_23 : i32
      %run_scoped3A = arith.constant 0 : i32
      "tpu.region"() ({
        %run_scoped3A_37 = tpu.sem_alloc : memref<!tpu.dma_semaphore, #tpu.memory_space<semaphore_mem>>
        %dma_start3A_38 = arith.constant 0 : i32
        %dma_start3A_39 = tpu.memref_slice %arg6[%run_scoped3A, %dma_start3A_38] : memref<1x128xi32, #tpu.memory_space<vmem>> -> memref<1x128xi32, #tpu.memory_space<vmem>>
        %dma_start3A_40 = tpu.memref_squeeze %dma_start3A_39 : memref<1x128xi32, #tpu.memory_space<vmem>> -> memref<128xi32, #tpu.memory_space<vmem>>
        %dma_start3A_41 = tpu.memref_slice %arg3[%mul3A_24] : memref<80000xi32, #tpu.memory_space<hbm>> -> memref<128xi32, #tpu.memory_space<hbm>>
        %dma_start3A_42 = arith.constant 0 : i32
        %dma_start3A_43 = tpu.memref_slice %arg6[%run_scoped3A, %dma_start3A_42] : memref<1x128xi32, #tpu.memory_space<vmem>> -> memref<1x128xi32, #tpu.memory_space<vmem>>
        %dma_start3A_44 = tpu.memref_squeeze %dma_start3A_43 : memref<1x128xi32, #tpu.memory_space<vmem>> -> memref<128xi32, #tpu.memory_space<vmem>>
        %dma_start3A_45 = tpu.memref_slice %arg3[%mul3A_24] : memref<80000xi32, #tpu.memory_space<hbm>> -> memref<128xi32, #tpu.memory_space<hbm>>
        tpu.enqueue_dma source(%dma_start3A_45 : memref<128xi32, #tpu.memory_space<hbm>>) target(%dma_start3A_44 : memref<128xi32, #tpu.memory_space<vmem>>) target_semaphore(%run_scoped3A_37 : memref<!tpu.dma_semaphore, #tpu.memory_space<semaphore_mem>>)
        %dma_wait3A_46 = arith.constant 0 : i32
        %dma_wait3A_47 = tpu.memref_slice %arg6[%run_scoped3A, %dma_wait3A_46] : memref<1x128xi32, #tpu.memory_space<vmem>> -> memref<1x128xi32, #tpu.memory_space<vmem>>
        %dma_wait3A_48 = tpu.memref_squeeze %dma_wait3A_47 : memref<1x128xi32, #tpu.memory_space<vmem>> -> memref<128xi32, #tpu.memory_space<vmem>>
        %dma_wait3A_49 = tpu.memref_slice %arg3[%mul3A_24] : memref<80000xi32, #tpu.memory_space<hbm>> -> memref<128xi32, #tpu.memory_space<hbm>>
        %dma_wait3A_50 = arith.constant 0 : i32
        %dma_wait3A_51 = tpu.memref_slice %arg6[%run_scoped3A, %dma_wait3A_50] : memref<1x128xi32, #tpu.memory_space<vmem>> -> memref<1x128xi32, #tpu.memory_space<vmem>>
        %dma_wait3A_52 = tpu.memref_squeeze %dma_wait3A_51 : memref<1x128xi32, #tpu.memory_space<vmem>> -> memref<128xi32, #tpu.memory_space<vmem>>
        %dma_wait3A_53 = tpu.memref_slice %arg3[%mul3A_24] : memref<80000xi32, #tpu.memory_space<hbm>> -> memref<128xi32, #tpu.memory_space<hbm>>
        tpu.wait_dma2 semaphore(%run_scoped3A_37 : memref<!tpu.dma_semaphore, #tpu.memory_space<semaphore_mem>>) src(%dma_wait3A_53 : memref<128xi32, #tpu.memory_space<hbm>>) dst(%dma_wait3A_52 : memref<128xi32, #tpu.memory_space<vmem>>)
        tpu.yield
      }) : () -> ()
      "tpu.region"() ({
        %run_scoped3A_37 = tpu.sem_alloc : memref<!tpu.dma_semaphore, #tpu.memory_space<semaphore_mem>>
        %dma_start3A_38 = arith.constant 0 : i32
        %dma_start3A_39 = tpu.memref_slice %arg2[%mul3A_24, %dma_start3A_38] : memref<80000x128xf32, #tpu.memory_space<hbm>> -> memref<128x128xf32, #tpu.memory_space<hbm>>
        %dma_start3A_40 = arith.constant 0 : i32
        %dma_start3A_41 = tpu.memref_slice %arg2[%mul3A_24, %dma_start3A_40] : memref<80000x128xf32, #tpu.memory_space<hbm>> -> memref<128x128xf32, #tpu.memory_space<hbm>>
        tpu.enqueue_dma source(%dma_start3A_41 : memref<128x128xf32, #tpu.memory_space<hbm>>) target(%arg7 : memref<128x128xf32, #tpu.memory_space<vmem>>) target_semaphore(%run_scoped3A_37 : memref<!tpu.dma_semaphore, #tpu.memory_space<semaphore_mem>>)
        %dma_wait3A_42 = arith.constant 0 : i32
        %dma_wait3A_43 = tpu.memref_slice %arg2[%mul3A_24, %dma_wait3A_42] : memref<80000x128xf32, #tpu.memory_space<hbm>> -> memref<128x128xf32, #tpu.memory_space<hbm>>
        %dma_wait3A_44 = arith.constant 0 : i32
        %dma_wait3A_45 = tpu.memref_slice %arg2[%mul3A_24, %dma_wait3A_44] : memref<80000x128xf32, #tpu.memory_space<hbm>> -> memref<128x128xf32, #tpu.memory_space<hbm>>
        tpu.wait_dma2 semaphore(%run_scoped3A_37 : memref<!tpu.dma_semaphore, #tpu.memory_space<semaphore_mem>>) src(%dma_wait3A_45 : memref<128x128xf32, #tpu.memory_space<hbm>>) dst(%arg7 : memref<128x128xf32, #tpu.memory_space<vmem>>)
        tpu.yield
      }) : () -> ()
      %dma_start3A = arith.constant 0 : i32
      %dma_start3A_25 = arith.constant 0 : i32
      %dma_start3A_26 = tpu.memref_slice %arg6[%dma_start3A, %dma_start3A_25] : memref<1x128xi32, #tpu.memory_space<vmem>> -> memref<1x128xi32, #tpu.memory_space<vmem>>
      %dma_start3A_27 = tpu.memref_squeeze %dma_start3A_26 : memref<1x128xi32, #tpu.memory_space<vmem>> -> memref<128xi32, #tpu.memory_space<vmem>>
      %dma_start3A_28 = arith.constant 0 : i32
      %dma_start3A_29 = arith.constant 0 : i32
      %dma_start3A_30 = tpu.memref_slice %arg8[%dma_start3A_28, %dma_start3A_29] : memref<10000x128xf32, #tpu.memory_space<vmem_shared>> -> memref<10000x128xf32, #tpu.memory_space<vmem_shared>>
      tpu.enqueue_indirect_dma source(%arg7 : memref<128x128xf32, #tpu.memory_space<vmem>>) target(%dma_start3A_30 : memref<10000x128xf32, #tpu.memory_space<vmem_shared>>) offsets(%dma_start3A_27 : memref<128xi32, #tpu.memory_space<vmem>>) semaphore(%arg9 : memref<!tpu.dma_semaphore, #tpu.memory_space<semaphore_mem>>) {add = true}
      %dma_wait3A = arith.constant 0 : i32
      %dma_wait3A_31 = arith.constant 0 : i32
      %dma_wait3A_32 = tpu.memref_slice %arg6[%dma_wait3A, %dma_wait3A_31] : memref<1x128xi32, #tpu.memory_space<vmem>> -> memref<1x128xi32, #tpu.memory_space<vmem>>
      %dma_wait3A_33 = tpu.memref_squeeze %dma_wait3A_32 : memref<1x128xi32, #tpu.memory_space<vmem>> -> memref<128xi32, #tpu.memory_space<vmem>>
      %dma_wait3A_34 = arith.constant 0 : i32
      %dma_wait3A_35 = arith.constant 0 : i32
      %dma_wait3A_36 = tpu.memref_slice %arg8[%dma_wait3A_34, %dma_wait3A_35] : memref<10000x128xf32, #tpu.memory_space<vmem_shared>> -> memref<10000x128xf32, #tpu.memory_space<vmem_shared>>
      tpu.wait_indirect_dma semaphore(%arg9 : memref<!tpu.dma_semaphore, #tpu.memory_space<semaphore_mem>>) src(%arg7 : memref<128x128xf32, #tpu.memory_space<vmem>>) dst(%dma_wait3A_36 : memref<10000x128xf32, #tpu.memory_space<vmem_shared>>)
    }
    %scan3A_7 = arith.constant 19 : i32
    %lt3A_8 = arith.constant 17 : i32
    %lt3A_9 = arith.cmpi slt, %add3A, %lt3A_8 : i32
    %convert_element_type3A_10 = arith.extui %lt3A_9 : i1 to i32
    %cond3A_11 = arith.constant 0 : i32
    %cond3A_12 = arith.cmpi ne, %convert_element_type3A_10, %cond3A_11 : i32
    scf.if %cond3A_12 {
      %add3A_19 = arith.constant 608 : i32
      %add3A_20 = arith.addi %add3A_19, %add3A : i32
      %mul3A_21 = arith.constant 128 : i32
      %mul3A_22 = arith.muli %add3A_20, %mul3A_21 : i32
      %run_scoped3A = arith.constant 0 : i32
      "tpu.region"() ({
        %run_scoped3A_35 = tpu.sem_alloc : memref<!tpu.dma_semaphore, #tpu.memory_space<semaphore_mem>>
        %dma_start3A_36 = arith.constant 0 : i32
        %dma_start3A_37 = tpu.memref_slice %arg6[%run_scoped3A, %dma_start3A_36] : memref<1x128xi32, #tpu.memory_space<vmem>> -> memref<1x128xi32, #tpu.memory_space<vmem>>
        %dma_start3A_38 = tpu.memref_squeeze %dma_start3A_37 : memref<1x128xi32, #tpu.memory_space<vmem>> -> memref<128xi32, #tpu.memory_space<vmem>>
        %dma_start3A_39 = tpu.memref_slice %arg3[%mul3A_22] : memref<80000xi32, #tpu.memory_space<hbm>> -> memref<128xi32, #tpu.memory_space<hbm>>
        %dma_start3A_40 = arith.constant 0 : i32
        %dma_start3A_41 = tpu.memref_slice %arg6[%run_scoped3A, %dma_start3A_40] : memref<1x128xi32, #tpu.memory_space<vmem>> -> memref<1x128xi32, #tpu.memory_space<vmem>>
        %dma_start3A_42 = tpu.memref_squeeze %dma_start3A_41 : memref<1x128xi32, #tpu.memory_space<vmem>> -> memref<128xi32, #tpu.memory_space<vmem>>
        %dma_start3A_43 = tpu.memref_slice %arg3[%mul3A_22] : memref<80000xi32, #tpu.memory_space<hbm>> -> memref<128xi32, #tpu.memory_space<hbm>>
        tpu.enqueue_dma source(%dma_start3A_43 : memref<128xi32, #tpu.memory_space<hbm>>) target(%dma_start3A_42 : memref<128xi32, #tpu.memory_space<vmem>>) target_semaphore(%run_scoped3A_35 : memref<!tpu.dma_semaphore, #tpu.memory_space<semaphore_mem>>)
        %dma_wait3A_44 = arith.constant 0 : i32
        %dma_wait3A_45 = tpu.memref_slice %arg6[%run_scoped3A, %dma_wait3A_44] : memref<1x128xi32, #tpu.memory_space<vmem>> -> memref<1x128xi32, #tpu.memory_space<vmem>>
        %dma_wait3A_46 = tpu.memref_squeeze %dma_wait3A_45 : memref<1x128xi32, #tpu.memory_space<vmem>> -> memref<128xi32, #tpu.memory_space<vmem>>
        %dma_wait3A_47 = tpu.memref_slice %arg3[%mul3A_22] : memref<80000xi32, #tpu.memory_space<hbm>> -> memref<128xi32, #tpu.memory_space<hbm>>
        %dma_wait3A_48 = arith.constant 0 : i32
        %dma_wait3A_49 = tpu.memref_slice %arg6[%run_scoped3A, %dma_wait3A_48] : memref<1x128xi32, #tpu.memory_space<vmem>> -> memref<1x128xi32, #tpu.memory_space<vmem>>
        %dma_wait3A_50 = tpu.memref_squeeze %dma_wait3A_49 : memref<1x128xi32, #tpu.memory_space<vmem>> -> memref<128xi32, #tpu.memory_space<vmem>>
        %dma_wait3A_51 = tpu.memref_slice %arg3[%mul3A_22] : memref<80000xi32, #tpu.memory_space<hbm>> -> memref<128xi32, #tpu.memory_space<hbm>>
        tpu.wait_dma2 semaphore(%run_scoped3A_35 : memref<!tpu.dma_semaphore, #tpu.memory_space<semaphore_mem>>) src(%dma_wait3A_51 : memref<128xi32, #tpu.memory_space<hbm>>) dst(%dma_wait3A_50 : memref<128xi32, #tpu.memory_space<vmem>>)
        tpu.yield
      }) : () -> ()
      "tpu.region"() ({
        %run_scoped3A_35 = tpu.sem_alloc : memref<!tpu.dma_semaphore, #tpu.memory_space<semaphore_mem>>
        %dma_start3A_36 = arith.constant 0 : i32
        %dma_start3A_37 = tpu.memref_slice %arg2[%mul3A_22, %dma_start3A_36] : memref<80000x128xf32, #tpu.memory_space<hbm>> -> memref<128x128xf32, #tpu.memory_space<hbm>>
        %dma_start3A_38 = arith.constant 0 : i32
        %dma_start3A_39 = tpu.memref_slice %arg2[%mul3A_22, %dma_start3A_38] : memref<80000x128xf32, #tpu.memory_space<hbm>> -> memref<128x128xf32, #tpu.memory_space<hbm>>
        tpu.enqueue_dma source(%dma_start3A_39 : memref<128x128xf32, #tpu.memory_space<hbm>>) target(%arg7 : memref<128x128xf32, #tpu.memory_space<vmem>>) target_semaphore(%run_scoped3A_35 : memref<!tpu.dma_semaphore, #tpu.memory_space<semaphore_mem>>)
        %dma_wait3A_40 = arith.constant 0 : i32
        %dma_wait3A_41 = tpu.memref_slice %arg2[%mul3A_22, %dma_wait3A_40] : memref<80000x128xf32, #tpu.memory_space<hbm>> -> memref<128x128xf32, #tpu.memory_space<hbm>>
        %dma_wait3A_42 = arith.constant 0 : i32
        %dma_wait3A_43 = tpu.memref_slice %arg2[%mul3A_22, %dma_wait3A_42] : memref<80000x128xf32, #tpu.memory_space<hbm>> -> memref<128x128xf32, #tpu.memory_space<hbm>>
        tpu.wait_dma2 semaphore(%run_scoped3A_35 : memref<!tpu.dma_semaphore, #tpu.memory_space<semaphore_mem>>) src(%dma_wait3A_43 : memref<128x128xf32, #tpu.memory_space<hbm>>) dst(%arg7 : memref<128x128xf32, #tpu.memory_space<vmem>>)
        tpu.yield
      }) : () -> ()
      %dma_start3A = arith.constant 0 : i32
      %dma_start3A_23 = arith.constant 0 : i32
      %dma_start3A_24 = tpu.memref_slice %arg6[%dma_start3A, %dma_start3A_23] : memref<1x128xi32, #tpu.memory_space<vmem>> -> memref<1x128xi32, #tpu.memory_space<vmem>>
      %dma_start3A_25 = tpu.memref_squeeze %dma_start3A_24 : memref<1x128xi32, #tpu.memory_space<vmem>> -> memref<128xi32, #tpu.memory_space<vmem>>
      %dma_start3A_26 = arith.constant 0 : i32
      %dma_start3A_27 = arith.constant 0 : i32
      %dma_start3A_28 = tpu.memref_slice %arg8[%dma_start3A_26, %dma_start3A_27] : memref<10000x128xf32, #tpu.memory_space<vmem_shared>> -> memref<10000x128xf32, #tpu.memory_space<vmem_shared>>
      tpu.enqueue_indirect_dma source(%arg7 : memref<128x128xf32, #tpu.memory_space<vmem>>) target(%dma_start3A_28 : memref<10000x128xf32, #tpu.memory_space<vmem_shared>>) offsets(%dma_start3A_25 : memref<128xi32, #tpu.memory_space<vmem>>) semaphore(%arg9 : memref<!tpu.dma_semaphore, #tpu.memory_space<semaphore_mem>>) {add = true}
      %dma_wait3A = arith.constant 0 : i32
      %dma_wait3A_29 = arith.constant 0 : i32
      %dma_wait3A_30 = tpu.memref_slice %arg6[%dma_wait3A, %dma_wait3A_29] : memref<1x128xi32, #tpu.memory_space<vmem>> -> memref<1x128xi32, #tpu.memory_space<vmem>>
      %dma_wait3A_31 = tpu.memref_squeeze %dma_wait3A_30 : memref<1x128xi32, #tpu.memory_space<vmem>> -> memref<128xi32, #tpu.memory_space<vmem>>
      %dma_wait3A_32 = arith.constant 0 : i32
      %dma_wait3A_33 = arith.constant 0 : i32
      %dma_wait3A_34 = tpu.memref_slice %arg8[%dma_wait3A_32, %dma_wait3A_33] : memref<10000x128xf32, #tpu.memory_space<vmem_shared>> -> memref<10000x128xf32, #tpu.memory_space<vmem_shared>>
      tpu.wait_indirect_dma semaphore(%arg9 : memref<!tpu.dma_semaphore, #tpu.memory_space<semaphore_mem>>) src(%arg7 : memref<128x128xf32, #tpu.memory_space<vmem>>) dst(%dma_wait3A_34 : memref<10000x128xf32, #tpu.memory_space<vmem_shared>>)
    } else {
    }
    %barrier3A_13 = arith.constant 0 : index
    tpu.barrier barrier_id(%barrier3A_13)
    %lt3A_14 = arith.constant 10 : i32
    %lt3A_15 = arith.cmpi slt, %arg1, %lt3A_14 : i32
    %convert_element_type3A_16 = arith.extui %lt3A_15 : i1 to i32
    %cond3A_17 = arith.constant 0 : i32
    %cond3A_18 = arith.cmpi ne, %convert_element_type3A_16, %cond3A_17 : i32
    scf.if %cond3A_18 {
      %mul3A_19 = arith.constant 1000 : i32
      %mul3A_20 = arith.muli %arg1, %mul3A_19 : i32
      %mul3A_21 = arith.constant 10000 : i32
      %mul3A_22 = arith.muli %arg0, %mul3A_21 : i32
      %mul3A_23 = arith.constant 1000 : i32
      %mul3A_24 = arith.muli %arg1, %mul3A_23 : i32
      %add3A_25 = arith.addi %mul3A_22, %mul3A_24 : i32
      "tpu.region"() ({
        %run_scoped3A = tpu.sem_alloc : memref<!tpu.dma_semaphore, #tpu.memory_space<semaphore_mem>>
        %dma_start3A = arith.constant 0 : i32
        %dma_start3A_26 = tpu.memref_slice %arg5[%add3A_25, %dma_start3A] : memref<20000x128xf32, #tpu.memory_space<hbm>> -> memref<1000x128xf32, #tpu.memory_space<hbm>>
        %dma_start3A_27 = arith.constant 0 : i32
        %dma_start3A_28 = tpu.memref_slice %arg8[%mul3A_20, %dma_start3A_27] : memref<10000x128xf32, #tpu.memory_space<vmem_shared>> -> memref<1000x128xf32, #tpu.memory_space<vmem_shared>>
        tpu.enqueue_dma source(%dma_start3A_28 : memref<1000x128xf32, #tpu.memory_space<vmem_shared>>) target(%dma_start3A_26 : memref<1000x128xf32, #tpu.memory_space<hbm>>) target_semaphore(%run_scoped3A : memref<!tpu.dma_semaphore, #tpu.memory_space<semaphore_mem>>)
        %dma_wait3A = arith.constant 0 : i32
        %dma_wait3A_29 = tpu.memref_slice %arg5[%add3A_25, %dma_wait3A] : memref<20000x128xf32, #tpu.memory_space<hbm>> -> memref<1000x128xf32, #tpu.memory_space<hbm>>
        %dma_wait3A_30 = arith.constant 0 : i32
        %dma_wait3A_31 = tpu.memref_slice %arg8[%mul3A_20, %dma_wait3A_30] : memref<10000x128xf32, #tpu.memory_space<vmem_shared>> -> memref<1000x128xf32, #tpu.memory_space<vmem_shared>>
        tpu.wait_dma2 semaphore(%run_scoped3A : memref<!tpu.dma_semaphore, #tpu.memory_space<semaphore_mem>>) src(%dma_wait3A_31 : memref<1000x128xf32, #tpu.memory_space<vmem_shared>>) dst(%dma_wait3A_29 : memref<1000x128xf32, #tpu.memory_space<hbm>>)
        tpu.yield
      }) : () -> ()
    } else {
    }
    return
  }
}

#map = affine_map<(d0, d1) -> (0, 0)>
#map1 = affine_map<(d0, d1) -> (0)>
module attributes {stable_mosaic.version = 14 : i64} {
  func.func @_gather_body(%arg0: i32, %arg1: i32, %arg2: memref<10000x128xf32, #tpu.memory_space<hbm>>, %arg3: memref<80000xi32, #tpu.memory_space<hbm>>, %arg4: memref<80000x128xf32, #tpu.memory_space<hbm>>, %arg5: memref<128xi32, #tpu.memory_space<vmem>>, %arg6: memref<128x128xf32, #tpu.memory_space<vmem>>, %arg7: memref<!tpu.dma_semaphore, #tpu.memory_space<semaphore_mem>>) attributes {dimension_semantics = [#tpu.dimension_semantics<core_parallel>, #tpu.dimension_semantics<subcore_parallel>], iteration_bounds = array<i64: 2, 16>, scalar_prefetch = 0 : i64, scratch_operands = 3 : i64, tpu.core_type = #tpu.core_type<sc_vector_subcore>, window_params = [{transform_indices = #map}, {transform_indices = #map1}, {transform_indices = #map}]} {
    %mul3A = arith.constant 2 : i32
    %mul3A_0 = arith.muli %arg1, %mul3A : i32
    %add3A = arith.addi %mul3A_0, %arg0 : i32
    %scan3A = arith.constant 0 : i32
    %scan3A_1 = arith.constant 0 : i32
    %scan3A_2 = arith.constant 19 : i32
    %scan3A_3 = arith.addi %scan3A_1, %scan3A_2 : i32
    %scan3A_4 = arith.constant 1 : i32
    scf.for %scan3A_8 = %scan3A_1 to %scan3A_3 step %scan3A_4  : i32 {
      %mul3A_9 = arith.constant 19 : i32
      %mul3A_10 = arith.muli %add3A, %mul3A_9 : i32
      %add3A_11 = arith.addi %mul3A_10, %scan3A_8 : i32
      %mul3A_12 = arith.constant 128 : i32
      %mul3A_13 = arith.muli %add3A_11, %mul3A_12 : i32
      "tpu.region"() ({
        %run_scoped3A = tpu.sem_alloc : memref<!tpu.dma_semaphore, #tpu.memory_space<semaphore_mem>>
        %dma_start3A_18 = tpu.memref_slice %arg3[%mul3A_13] : memref<80000xi32, #tpu.memory_space<hbm>> -> memref<128xi32, #tpu.memory_space<hbm>>
        %dma_start3A_19 = tpu.memref_slice %arg3[%mul3A_13] : memref<80000xi32, #tpu.memory_space<hbm>> -> memref<128xi32, #tpu.memory_space<hbm>>
        tpu.enqueue_dma source(%dma_start3A_19 : memref<128xi32, #tpu.memory_space<hbm>>) target(%arg5 : memref<128xi32, #tpu.memory_space<vmem>>) target_semaphore(%run_scoped3A : memref<!tpu.dma_semaphore, #tpu.memory_space<semaphore_mem>>)
        %dma_wait3A_20 = tpu.memref_slice %arg3[%mul3A_13] : memref<80000xi32, #tpu.memory_space<hbm>> -> memref<128xi32, #tpu.memory_space<hbm>>
        %dma_wait3A_21 = tpu.memref_slice %arg3[%mul3A_13] : memref<80000xi32, #tpu.memory_space<hbm>> -> memref<128xi32, #tpu.memory_space<hbm>>
        tpu.wait_dma2 semaphore(%run_scoped3A : memref<!tpu.dma_semaphore, #tpu.memory_space<semaphore_mem>>) src(%dma_wait3A_21 : memref<128xi32, #tpu.memory_space<hbm>>) dst(%arg5 : memref<128xi32, #tpu.memory_space<vmem>>)
        tpu.yield
      }) : () -> ()
      %dma_start3A = arith.constant 0 : i32
      %dma_start3A_14 = arith.constant 0 : i32
      %dma_start3A_15 = tpu.memref_slice %arg2[%dma_start3A, %dma_start3A_14] : memref<10000x128xf32, #tpu.memory_space<hbm>> -> memref<10000x128xf32, #tpu.memory_space<hbm>>
      tpu.enqueue_indirect_dma source(%dma_start3A_15 : memref<10000x128xf32, #tpu.memory_space<hbm>>) target(%arg6 : memref<128x128xf32, #tpu.memory_space<vmem>>) offsets(%arg5 : memref<128xi32, #tpu.memory_space<vmem>>) semaphore(%arg7 : memref<!tpu.dma_semaphore, #tpu.memory_space<semaphore_mem>>)
      %dma_wait3A = arith.constant 0 : i32
      %dma_wait3A_16 = arith.constant 0 : i32
      %dma_wait3A_17 = tpu.memref_slice %arg2[%dma_wait3A, %dma_wait3A_16] : memref<10000x128xf32, #tpu.memory_space<hbm>> -> memref<10000x128xf32, #tpu.memory_space<hbm>>
      tpu.wait_indirect_dma semaphore(%arg7 : memref<!tpu.dma_semaphore, #tpu.memory_space<semaphore_mem>>) src(%dma_wait3A_17 : memref<10000x128xf32, #tpu.memory_space<hbm>>) dst(%arg6 : memref<128x128xf32, #tpu.memory_space<vmem>>)
      "tpu.region"() ({
        %run_scoped3A = tpu.sem_alloc : memref<!tpu.dma_semaphore, #tpu.memory_space<semaphore_mem>>
        %dma_start3A_18 = arith.constant 0 : i32
        %dma_start3A_19 = tpu.memref_slice %arg4[%mul3A_13, %dma_start3A_18] : memref<80000x128xf32, #tpu.memory_space<hbm>> -> memref<128x128xf32, #tpu.memory_space<hbm>>
        %dma_start3A_20 = arith.constant 0 : i32
        %dma_start3A_21 = tpu.memref_slice %arg4[%mul3A_13, %dma_start3A_20] : memref<80000x128xf32, #tpu.memory_space<hbm>> -> memref<128x128xf32, #tpu.memory_space<hbm>>
        tpu.enqueue_dma source(%arg6 : memref<128x128xf32, #tpu.memory_space<vmem>>) target(%dma_start3A_21 : memref<128x128xf32, #tpu.memory_space<hbm>>) target_semaphore(%run_scoped3A : memref<!tpu.dma_semaphore, #tpu.memory_space<semaphore_mem>>)
        %dma_wait3A_22 = arith.constant 0 : i32
        %dma_wait3A_23 = tpu.memref_slice %arg4[%mul3A_13, %dma_wait3A_22] : memref<80000x128xf32, #tpu.memory_space<hbm>> -> memref<128x128xf32, #tpu.memory_space<hbm>>
        %dma_wait3A_24 = arith.constant 0 : i32
        %dma_wait3A_25 = tpu.memref_slice %arg4[%mul3A_13, %dma_wait3A_24] : memref<80000x128xf32, #tpu.memory_space<hbm>> -> memref<128x128xf32, #tpu.memory_space<hbm>>
        tpu.wait_dma2 semaphore(%run_scoped3A : memref<!tpu.dma_semaphore, #tpu.memory_space<semaphore_mem>>) src(%arg6 : memref<128x128xf32, #tpu.memory_space<vmem>>) dst(%dma_wait3A_25 : memref<128x128xf32, #tpu.memory_space<hbm>>)
        tpu.yield
      }) : () -> ()
    }
    %scan3A_5 = arith.constant 19 : i32
    %lt3A = arith.constant 17 : i32
    %lt3A_6 = arith.cmpi slt, %add3A, %lt3A : i32
    %convert_element_type3A = arith.extui %lt3A_6 : i1 to i32
    %cond3A = arith.constant 0 : i32
    %cond3A_7 = arith.cmpi ne, %convert_element_type3A, %cond3A : i32
    scf.if %cond3A_7 {
      %add3A_8 = arith.constant 608 : i32
      %add3A_9 = arith.addi %add3A_8, %add3A : i32
      %mul3A_10 = arith.constant 128 : i32
      %mul3A_11 = arith.muli %add3A_9, %mul3A_10 : i32
      "tpu.region"() ({
        %run_scoped3A = tpu.sem_alloc : memref<!tpu.dma_semaphore, #tpu.memory_space<semaphore_mem>>
        %dma_start3A_16 = tpu.memref_slice %arg3[%mul3A_11] : memref<80000xi32, #tpu.memory_space<hbm>> -> memref<128xi32, #tpu.memory_space<hbm>>
        %dma_start3A_17 = tpu.memref_slice %arg3[%mul3A_11] : memref<80000xi32, #tpu.memory_space<hbm>> -> memref<128xi32, #tpu.memory_space<hbm>>
        tpu.enqueue_dma source(%dma_start3A_17 : memref<128xi32, #tpu.memory_space<hbm>>) target(%arg5 : memref<128xi32, #tpu.memory_space<vmem>>) target_semaphore(%run_scoped3A : memref<!tpu.dma_semaphore, #tpu.memory_space<semaphore_mem>>)
        %dma_wait3A_18 = tpu.memref_slice %arg3[%mul3A_11] : memref<80000xi32, #tpu.memory_space<hbm>> -> memref<128xi32, #tpu.memory_space<hbm>>
        %dma_wait3A_19 = tpu.memref_slice %arg3[%mul3A_11] : memref<80000xi32, #tpu.memory_space<hbm>> -> memref<128xi32, #tpu.memory_space<hbm>>
        tpu.wait_dma2 semaphore(%run_scoped3A : memref<!tpu.dma_semaphore, #tpu.memory_space<semaphore_mem>>) src(%dma_wait3A_19 : memref<128xi32, #tpu.memory_space<hbm>>) dst(%arg5 : memref<128xi32, #tpu.memory_space<vmem>>)
        tpu.yield
      }) : () -> ()
      %dma_start3A = arith.constant 0 : i32
      %dma_start3A_12 = arith.constant 0 : i32
      %dma_start3A_13 = tpu.memref_slice %arg2[%dma_start3A, %dma_start3A_12] : memref<10000x128xf32, #tpu.memory_space<hbm>> -> memref<10000x128xf32, #tpu.memory_space<hbm>>
      tpu.enqueue_indirect_dma source(%dma_start3A_13 : memref<10000x128xf32, #tpu.memory_space<hbm>>) target(%arg6 : memref<128x128xf32, #tpu.memory_space<vmem>>) offsets(%arg5 : memref<128xi32, #tpu.memory_space<vmem>>) semaphore(%arg7 : memref<!tpu.dma_semaphore, #tpu.memory_space<semaphore_mem>>)
      %dma_wait3A = arith.constant 0 : i32
      %dma_wait3A_14 = arith.constant 0 : i32
      %dma_wait3A_15 = tpu.memref_slice %arg2[%dma_wait3A, %dma_wait3A_14] : memref<10000x128xf32, #tpu.memory_space<hbm>> -> memref<10000x128xf32, #tpu.memory_space<hbm>>
      tpu.wait_indirect_dma semaphore(%arg7 : memref<!tpu.dma_semaphore, #tpu.memory_space<semaphore_mem>>) src(%dma_wait3A_15 : memref<10000x128xf32, #tpu.memory_space<hbm>>) dst(%arg6 : memref<128x128xf32, #tpu.memory_space<vmem>>)
      "tpu.region"() ({
        %run_scoped3A = tpu.sem_alloc : memref<!tpu.dma_semaphore, #tpu.memory_space<semaphore_mem>>
        %dma_start3A_16 = arith.constant 0 : i32
        %dma_start3A_17 = tpu.memref_slice %arg4[%mul3A_11, %dma_start3A_16] : memref<80000x128xf32, #tpu.memory_space<hbm>> -> memref<128x128xf32, #tpu.memory_space<hbm>>
        %dma_start3A_18 = arith.constant 0 : i32
        %dma_start3A_19 = tpu.memref_slice %arg4[%mul3A_11, %dma_start3A_18] : memref<80000x128xf32, #tpu.memory_space<hbm>> -> memref<128x128xf32, #tpu.memory_space<hbm>>
        tpu.enqueue_dma source(%arg6 : memref<128x128xf32, #tpu.memory_space<vmem>>) target(%dma_start3A_19 : memref<128x128xf32, #tpu.memory_space<hbm>>) target_semaphore(%run_scoped3A : memref<!tpu.dma_semaphore, #tpu.memory_space<semaphore_mem>>)
        %dma_wait3A_20 = arith.constant 0 : i32
        %dma_wait3A_21 = tpu.memref_slice %arg4[%mul3A_11, %dma_wait3A_20] : memref<80000x128xf32, #tpu.memory_space<hbm>> -> memref<128x128xf32, #tpu.memory_space<hbm>>
        %dma_wait3A_22 = arith.constant 0 : i32
        %dma_wait3A_23 = tpu.memref_slice %arg4[%mul3A_11, %dma_wait3A_22] : memref<80000x128xf32, #tpu.memory_space<hbm>> -> memref<128x128xf32, #tpu.memory_space<hbm>>
        tpu.wait_dma2 semaphore(%run_scoped3A : memref<!tpu.dma_semaphore, #tpu.memory_space<semaphore_mem>>) src(%arg6 : memref<128x128xf32, #tpu.memory_space<vmem>>) dst(%dma_wait3A_23 : memref<128x128xf32, #tpu.memory_space<hbm>>)
        tpu.yield
      }) : () -> ()
    } else {
    }
    return
  }
}

module attributes {stable_mosaic.version = 14 : i64} {
  func.func @_msg_body(%arg0: i32, %arg1: memref<2000x4xf32, #tpu.memory_space<vmem>>, %arg2: memref<2000x128xf32, #tpu.memory_space<vmem>>, %arg3: memref<4x1024xf32, #tpu.memory_space<vmem>>, %arg4: memref<1x1024xf32, #tpu.memory_space<vmem>>, %arg5: memref<2000x128xf32, #tpu.memory_space<vmem>>) attributes {dimension_semantics = [#tpu.dimension_semantics<parallel>], iteration_bounds = array<i64: 40>, scalar_prefetch = 0 : i64, scratch_operands = 0 : i64, tpu.core_type = #tpu.core_type<tc>, window_params = [{transform_indices = @transform_0, window_bounds = array<i64: 2000, 4>}, {transform_indices = @transform_1, window_bounds = array<i64: 2000, 128>}, {pipeline_mode = #tpu.pipeline_mode<synchronous>, transform_indices = @transform_2, window_bounds = array<i64: 4, 1024>}, {pipeline_mode = #tpu.pipeline_mode<synchronous>, transform_indices = @transform_3, window_bounds = array<i64: 1, 1024>}, {transform_indices = @transform_4, window_bounds = array<i64: 2000, 128>}]} {
    %get3A = arith.constant 0 : index
    %get3A_0 = arith.constant 0 : index
    %get3A_1 = vector.load %arg1[%get3A, %get3A_0] : memref<2000x4xf32, #tpu.memory_space<vmem>>, vector<2000x4xf32>
    %get3A_2 = arith.constant 0 : index
    %get3A_3 = arith.constant 0 : index
    %get3A_4 = vector.load %arg2[%get3A_2, %get3A_3] : memref<2000x128xf32, #tpu.memory_space<vmem>>, vector<2000x128xf32>
    %get3A_5 = arith.constant 0 : index
    %get3A_6 = arith.constant 0 : index
    %get3A_7 = vector.load %arg4[%get3A_5, %get3A_6] : memref<1x1024xf32, #tpu.memory_space<vmem>>, vector<1x1024xf32>
    %broadcast_in_dim3A = vector.shape_cast %get3A_7 : vector<1x1024xf32> to vector<1x1024xf32>
    %broadcast_in_dim3A_8 = vector.broadcast %broadcast_in_dim3A : vector<1x1024xf32> to vector<2000x1024xf32>
    %slice3A = vector.extract_strided_slice %get3A_1 {offsets = [0, 0], sizes = [2000, 1], strides = [1, 1]} : vector<2000x4xf32> to vector<2000x1xf32>
    %get3A_9 = arith.constant 0 : index
    %get3A_10 = arith.constant 0 : index
    %get3A_11 = vector.load %arg3[%get3A_9, %get3A_10] : memref<4x1024xf32, #tpu.memory_space<vmem>>, vector<1x1024xf32>
    %mul3A = vector.broadcast %slice3A : vector<2000x1xf32> to vector<2000x1024xf32>
    %mul3A_12 = vector.broadcast %get3A_11 : vector<1x1024xf32> to vector<2000x1024xf32>
    %mul3A_13 = arith.mulf %mul3A, %mul3A_12 : vector<2000x1024xf32>
    %add3A = arith.addf %broadcast_in_dim3A_8, %mul3A_13 : vector<2000x1024xf32>
    %slice3A_14 = vector.extract_strided_slice %get3A_1 {offsets = [0, 1], sizes = [2000, 1], strides = [1, 1]} : vector<2000x4xf32> to vector<2000x1xf32>
    %get3A_15 = arith.constant 1 : index
    %get3A_16 = arith.constant 0 : index
    %get3A_17 = vector.load %arg3[%get3A_15, %get3A_16] : memref<4x1024xf32, #tpu.memory_space<vmem>>, vector<1x1024xf32>
    %mul3A_18 = vector.broadcast %slice3A_14 : vector<2000x1xf32> to vector<2000x1024xf32>
    %mul3A_19 = vector.broadcast %get3A_17 : vector<1x1024xf32> to vector<2000x1024xf32>
    %mul3A_20 = arith.mulf %mul3A_18, %mul3A_19 : vector<2000x1024xf32>
    %add3A_21 = arith.addf %add3A, %mul3A_20 : vector<2000x1024xf32>
    %slice3A_22 = vector.extract_strided_slice %get3A_1 {offsets = [0, 2], sizes = [2000, 1], strides = [1, 1]} : vector<2000x4xf32> to vector<2000x1xf32>
    %get3A_23 = arith.constant 2 : index
    %get3A_24 = arith.constant 0 : index
    %get3A_25 = vector.load %arg3[%get3A_23, %get3A_24] : memref<4x1024xf32, #tpu.memory_space<vmem>>, vector<1x1024xf32>
    %mul3A_26 = vector.broadcast %slice3A_22 : vector<2000x1xf32> to vector<2000x1024xf32>
    %mul3A_27 = vector.broadcast %get3A_25 : vector<1x1024xf32> to vector<2000x1024xf32>
    %mul3A_28 = arith.mulf %mul3A_26, %mul3A_27 : vector<2000x1024xf32>
    %add3A_29 = arith.addf %add3A_21, %mul3A_28 : vector<2000x1024xf32>
    %slice3A_30 = vector.extract_strided_slice %get3A_1 {offsets = [0, 3], sizes = [2000, 1], strides = [1, 1]} : vector<2000x4xf32> to vector<2000x1xf32>
    %get3A_31 = arith.constant 3 : index
    %get3A_32 = arith.constant 0 : index
    %get3A_33 = vector.load %arg3[%get3A_31, %get3A_32] : memref<4x1024xf32, #tpu.memory_space<vmem>>, vector<1x1024xf32>
    %mul3A_34 = vector.broadcast %slice3A_30 : vector<2000x1xf32> to vector<2000x1024xf32>
    %mul3A_35 = vector.broadcast %get3A_33 : vector<1x1024xf32> to vector<2000x1024xf32>
    %mul3A_36 = arith.mulf %mul3A_34, %mul3A_35 : vector<2000x1024xf32>
    %add3A_37 = arith.addf %add3A_29, %mul3A_36 : vector<2000x1024xf32>
    %max3A = arith.constant 0.000000e+00 : f32
    %max3A_38 = vector.broadcast %max3A : f32 to vector<2000x1024xf32>
    %max3A_39 = arith.maximumf %add3A_37, %max3A_38 : vector<2000x1024xf32>
    %concatenate3A = tpu.concatenate %get3A_4, %get3A_4, %get3A_4, %get3A_4, %get3A_4, %get3A_4, %get3A_4, %get3A_4 in 1 : vector<2000x128xf32>, vector<2000x128xf32>, vector<2000x128xf32>, vector<2000x128xf32>, vector<2000x128xf32>, vector<2000x128xf32>, vector<2000x128xf32>, vector<2000x128xf32> -> vector<2000x1024xf32>
    %mul3A_40 = arith.mulf %max3A_39, %concatenate3A : vector<2000x1024xf32>
    %slice3A_41 = vector.extract_strided_slice %mul3A_40 {offsets = [0, 0], sizes = [2000, 128], strides = [1, 1]} : vector<2000x1024xf32> to vector<2000x128xf32>
    %reduce_sum3A = arith.constant dense<0.000000e+00> : vector<2000xf32>
    %reduce_sum3A_42 = vector.multi_reduction <add>, %slice3A_41, %reduce_sum3A [1] : vector<2000x128xf32> to vector<2000xf32>
    %broadcast_in_dim3A_43 = vector.shape_cast %reduce_sum3A_42 : vector<2000xf32> to vector<2000x1xf32>
    %slice3A_44 = vector.extract_strided_slice %mul3A_40 {offsets = [0, 128], sizes = [2000, 128], strides = [1, 1]} : vector<2000x1024xf32> to vector<2000x128xf32>
    %reduce_sum3A_45 = arith.constant dense<0.000000e+00> : vector<2000xf32>
    %reduce_sum3A_46 = vector.multi_reduction <add>, %slice3A_44, %reduce_sum3A_45 [1] : vector<2000x128xf32> to vector<2000xf32>
    %broadcast_in_dim3A_47 = vector.shape_cast %reduce_sum3A_46 : vector<2000xf32> to vector<2000x1xf32>
    %slice3A_48 = vector.extract_strided_slice %mul3A_40 {offsets = [0, 256], sizes = [2000, 128], strides = [1, 1]} : vector<2000x1024xf32> to vector<2000x128xf32>
    %reduce_sum3A_49 = arith.constant dense<0.000000e+00> : vector<2000xf32>
    %reduce_sum3A_50 = vector.multi_reduction <add>, %slice3A_48, %reduce_sum3A_49 [1] : vector<2000x128xf32> to vector<2000xf32>
    %broadcast_in_dim3A_51 = vector.shape_cast %reduce_sum3A_50 : vector<2000xf32> to vector<2000x1xf32>
    %slice3A_52 = vector.extract_strided_slice %mul3A_40 {offsets = [0, 384], sizes = [2000, 128], strides = [1, 1]} : vector<2000x1024xf32> to vector<2000x128xf32>
    %reduce_sum3A_53 = arith.constant dense<0.000000e+00> : vector<2000xf32>
    %reduce_sum3A_54 = vector.multi_reduction <add>, %slice3A_52, %reduce_sum3A_53 [1] : vector<2000x128xf32> to vector<2000xf32>
    %broadcast_in_dim3A_55 = vector.shape_cast %reduce_sum3A_54 : vector<2000xf32> to vector<2000x1xf32>
    %slice3A_56 = vector.extract_strided_slice %mul3A_40 {offsets = [0, 512], sizes = [2000, 128], strides = [1, 1]} : vector<2000x1024xf32> to vector<2000x128xf32>
    %reduce_sum3A_57 = arith.constant dense<0.000000e+00> : vector<2000xf32>
    %reduce_sum3A_58 = vector.multi_reduction <add>, %slice3A_56, %reduce_sum3A_57 [1] : vector<2000x128xf32> to vector<2000xf32>
    %broadcast_in_dim3A_59 = vector.shape_cast %reduce_sum3A_58 : vector<2000xf32> to vector<2000x1xf32>
    %slice3A_60 = vector.extract_strided_slice %mul3A_40 {offsets = [0, 640], sizes = [2000, 128], strides = [1, 1]} : vector<2000x1024xf32> to vector<2000x128xf32>
    %reduce_sum3A_61 = arith.constant dense<0.000000e+00> : vector<2000xf32>
    %reduce_sum3A_62 = vector.multi_reduction <add>, %slice3A_60, %reduce_sum3A_61 [1] : vector<2000x128xf32> to vector<2000xf32>
    %broadcast_in_dim3A_63 = vector.shape_cast %reduce_sum3A_62 : vector<2000xf32> to vector<2000x1xf32>
    %slice3A_64 = vector.extract_strided_slice %mul3A_40 {offsets = [0, 768], sizes = [2000, 128], strides = [1, 1]} : vector<2000x1024xf32> to vector<2000x128xf32>
    %reduce_sum3A_65 = arith.constant dense<0.000000e+00> : vector<2000xf32>
    %reduce_sum3A_66 = vector.multi_reduction <add>, %slice3A_64, %reduce_sum3A_65 [1] : vector<2000x128xf32> to vector<2000xf32>
    %broadcast_in_dim3A_67 = vector.shape_cast %reduce_sum3A_66 : vector<2000xf32> to vector<2000x1xf32>
    %slice3A_68 = vector.extract_strided_slice %mul3A_40 {offsets = [0, 896], sizes = [2000, 128], strides = [1, 1]} : vector<2000x1024xf32> to vector<2000x128xf32>
    %reduce_sum3A_69 = arith.constant dense<0.000000e+00> : vector<2000xf32>
    %reduce_sum3A_70 = vector.multi_reduction <add>, %slice3A_68, %reduce_sum3A_69 [1] : vector<2000x128xf32> to vector<2000xf32>
    %broadcast_in_dim3A_71 = vector.shape_cast %reduce_sum3A_70 : vector<2000xf32> to vector<2000x1xf32>
    %broadcast_in_dim3A_72 = arith.constant 0.000000e+00 : f32
    %broadcast_in_dim3A_73 = vector.broadcast %broadcast_in_dim3A_72 : f32 to vector<2000x120xf32>
    %concatenate3A_74 = tpu.concatenate %broadcast_in_dim3A_43, %broadcast_in_dim3A_47, %broadcast_in_dim3A_51, %broadcast_in_dim3A_55, %broadcast_in_dim3A_59, %broadcast_in_dim3A_63, %broadcast_in_dim3A_67, %broadcast_in_dim3A_71, %broadcast_in_dim3A_73 in 1 : vector<2000x1xf32>, vector<2000x1xf32>, vector<2000x1xf32>, vector<2000x1xf32>, vector<2000x1xf32>, vector<2000x1xf32>, vector<2000x1xf32>, vector<2000x1xf32>, vector<2000x120xf32> -> vector<2000x128xf32>
    %swap3A = arith.constant 0 : index
    %swap3A_75 = arith.constant 0 : index
    %swap3A_76 = vector.load %arg5[%swap3A, %swap3A_75] : memref<2000x128xf32, #tpu.memory_space<vmem>>, vector<2000x128xf32>
    tpu.vector_store %arg5[%swap3A, %swap3A_75], %concatenate3A_74 {strides = array<i32>} : memref<2000x128xf32, #tpu.memory_space<vmem>>, vector<2000x128xf32>,
    return
  }
  func.func @transform_0(%arg0: i32) -> (i32, i32) {
    %c0_i32 = arith.constant 0 : i32
    %c0_i32_0 = arith.constant 0 : i32
    return %arg0, %c0_i32 : i32, i32
  }
  func.func @transform_1(%arg0: i32) -> (i32, i32) {
    %c0_i32 = arith.constant 0 : i32
    %c0_i32_0 = arith.constant 0 : i32
    return %arg0, %c0_i32 : i32, i32
  }
  func.func @transform_2(%arg0: i32) -> (i32, i32) {
    %c0_i32 = arith.constant 0 : i32
    %c0_i32_0 = arith.constant 0 : i32
    %c0_i32_1 = arith.constant 0 : i32
    return %c0_i32, %c0_i32_0 : i32, i32
  }
  func.func @transform_3(%arg0: i32) -> (i32, i32) {
    %c0_i32 = arith.constant 0 : i32
    %c0_i32_0 = arith.constant 0 : i32
    %c0_i32_1 = arith.constant 0 : i32
    return %c0_i32, %c0_i32_0 : i32, i32
  }
  func.func @transform_4(%arg0: i32) -> (i32, i32) {
    %c0_i32 = arith.constant 0 : i32
    %c0_i32_0 = arith.constant 0 : i32
    return %arg0, %c0_i32 : i32, i32
  }
}

module attributes {stable_mosaic.version = 14 : i64} {
  func.func @_tail_body(%arg0: memref<20000x128xf32, #tpu.memory_space<vmem>>, %arg1: memref<20000x128xf32, #tpu.memory_space<vmem>>, %arg2: memref<10000x128xf32, #tpu.memory_space<vmem>>, %arg3: memref<128x8xf32, #tpu.memory_space<vmem>>, %arg4: memref<1x8xf32, #tpu.memory_space<vmem>>, %arg5: memref<1x8xf32, #tpu.memory_space<vmem>>, %arg6: memref<1x8xf32, #tpu.memory_space<vmem>>, %arg7: memref<1x10000xi32, #tpu.memory_space<vmem>>, %arg8: memref<1x8xf32, #tpu.memory_space<vmem>>, %arg9: memref<1x1xf32, #tpu.memory_space<vmem>>, %arg10: memref<256x1xf32, #tpu.memory_space<vmem>>) attributes {dimension_semantics = [], scalar_prefetch = 0 : i64, scratch_operands = 0 : i64, tpu.core_type = #tpu.core_type<tc>} {
    %get3A = arith.constant 0 : index
    %get3A_0 = arith.constant 0 : index
    %get3A_1 = vector.load %arg0[%get3A, %get3A_0] : memref<20000x128xf32, #tpu.memory_space<vmem>>, vector<10000x8xf32>
    %get3A_2 = arith.constant 10000 : index
    %get3A_3 = arith.constant 0 : index
    %get3A_4 = vector.load %arg0[%get3A_2, %get3A_3] : memref<20000x128xf32, #tpu.memory_space<vmem>>, vector<10000x8xf32>
    %add3A = arith.addf %get3A_1, %get3A_4 : vector<10000x8xf32>
    %get3A_5 = arith.constant 0 : index
    %get3A_6 = arith.constant 0 : index
    %get3A_7 = vector.load %arg1[%get3A_5, %get3A_6] : memref<20000x128xf32, #tpu.memory_space<vmem>>, vector<10000x8xf32>
    %add3A_8 = arith.addf %add3A, %get3A_7 : vector<10000x8xf32>
    %get3A_9 = arith.constant 10000 : index
    %get3A_10 = arith.constant 0 : index
    %get3A_11 = vector.load %arg1[%get3A_9, %get3A_10] : memref<20000x128xf32, #tpu.memory_space<vmem>>, vector<10000x8xf32>
    %add3A_12 = arith.addf %add3A_8, %get3A_11 : vector<10000x8xf32>
    %get3A_13 = arith.constant 0 : index
    %get3A_14 = arith.constant 0 : index
    %get3A_15 = vector.load %arg2[%get3A_13, %get3A_14] : memref<10000x128xf32, #tpu.memory_space<vmem>>, vector<10000x128xf32>
    %get3A_16 = arith.constant 0 : index
    %get3A_17 = arith.constant 0 : index
    %get3A_18 = vector.load %arg3[%get3A_16, %get3A_17] : memref<128x8xf32, #tpu.memory_space<vmem>>, vector<128x8xf32>
    %dot_general3A = arith.constant dense<0.000000e+00> : vector<10000x8xf32>
    %dot_general3A_19 = tpu.matmul %get3A_15, %get3A_18, %dot_general3A {dimension_numbers = #tpu.dot_dimension_numbers<[1], [0], [0], [1], [0, 0, 1, 1], [], []>, precision = #tpu.contract_precision<fp32>, transpose_lhs_hint = false} : vector<10000x128xf32>, vector<128x8xf32>, vector<10000x8xf32> -> vector<10000x8xf32>
    %add3A_20 = arith.addf %add3A_12, %dot_general3A_19 : vector<10000x8xf32>
    %get3A_21 = arith.constant 0 : index
    %get3A_22 = arith.constant 0 : index
    %get3A_23 = vector.load %arg4[%get3A_21, %get3A_22] : memref<1x8xf32, #tpu.memory_space<vmem>>, vector<1x8xf32>
    %add3A_24 = vector.broadcast %get3A_23 : vector<1x8xf32> to vector<10000x8xf32>
    %add3A_25 = arith.addf %add3A_20, %add3A_24 : vector<10000x8xf32>
    %max3A = arith.constant 0.000000e+00 : f32
    %max3A_26 = vector.broadcast %max3A : f32 to vector<10000x8xf32>
    %max3A_27 = arith.maximumf %add3A_25, %max3A_26 : vector<10000x8xf32>
    %reduce_sum3A = arith.constant dense<0.000000e+00> : vector<8xf32>
    %reduce_sum3A_28 = vector.multi_reduction <add>, %max3A_27, %reduce_sum3A [0] : vector<10000x8xf32> to vector<8xf32>
    %broadcast_in_dim3A = vector.shape_cast %reduce_sum3A_28 : vector<8xf32> to vector<1x8xf32>
    %div3A = arith.constant 1.000000e+04 : f32
    %div3A_29 = vector.broadcast %div3A : f32 to vector<1x8xf32>
    %div3A_30 = arith.divf %broadcast_in_dim3A, %div3A_29 : vector<1x8xf32>
    %mul3A = arith.mulf %max3A_27, %max3A_27 : vector<10000x8xf32>
    %reduce_sum3A_31 = arith.constant dense<0.000000e+00> : vector<8xf32>
    %reduce_sum3A_32 = vector.multi_reduction <add>, %mul3A, %reduce_sum3A_31 [0] : vector<10000x8xf32> to vector<8xf32>
    %broadcast_in_dim3A_33 = vector.shape_cast %reduce_sum3A_32 : vector<8xf32> to vector<1x8xf32>
    %div3A_34 = arith.constant 1.000000e+04 : f32
    %div3A_35 = vector.broadcast %div3A_34 : f32 to vector<1x8xf32>
    %div3A_36 = arith.divf %broadcast_in_dim3A_33, %div3A_35 : vector<1x8xf32>
    %mul3A_37 = arith.mulf %div3A_30, %div3A_30 : vector<1x8xf32>
    %sub3A = arith.subf %div3A_36, %mul3A_37 : vector<1x8xf32>
    %get3A_38 = arith.constant 0 : index
    %get3A_39 = arith.constant 0 : index
    %get3A_40 = vector.load %arg5[%get3A_38, %get3A_39] : memref<1x8xf32, #tpu.memory_space<vmem>>, vector<1x8xf32>
    %sub3A_41 = vector.broadcast %div3A_30 : vector<1x8xf32> to vector<10000x8xf32>
    %sub3A_42 = arith.subf %max3A_27, %sub3A_41 : vector<10000x8xf32>
    %mul3A_43 = vector.broadcast %get3A_40 : vector<1x8xf32> to vector<10000x8xf32>
    %mul3A_44 = arith.mulf %mul3A_43, %sub3A_42 : vector<10000x8xf32>
    %add3A_45 = arith.constant 9.99999974E-6 : f32
    %add3A_46 = vector.broadcast %add3A_45 : f32 to vector<1x8xf32>
    %add3A_47 = arith.addf %sub3A, %add3A_46 : vector<1x8xf32>
    %rsqrt3A = math.rsqrt %add3A_47 : vector<1x8xf32>
    %mul3A_48 = vector.broadcast %rsqrt3A : vector<1x8xf32> to vector<10000x8xf32>
    %mul3A_49 = arith.mulf %mul3A_44, %mul3A_48 : vector<10000x8xf32>
    %get3A_50 = arith.constant 0 : index
    %get3A_51 = arith.constant 0 : index
    %get3A_52 = vector.load %arg6[%get3A_50, %get3A_51] : memref<1x8xf32, #tpu.memory_space<vmem>>, vector<1x8xf32>
    %add3A_53 = vector.broadcast %get3A_52 : vector<1x8xf32> to vector<10000x8xf32>
    %add3A_54 = arith.addf %mul3A_49, %add3A_53 : vector<10000x8xf32>
    %iota3A = tpu.iota {dimensions = array<i32: 0>} : vector<256x1xi32>
    %broadcast_in_dim3A_55 = arith.constant 0.000000e+00 : f32
    %broadcast_in_dim3A_56 = vector.broadcast %broadcast_in_dim3A_55 : f32 to vector<256x8xf32>
    %get3A_57 = arith.constant 0 : index
    %get3A_58 = arith.constant 0 : index
    %get3A_59 = vector.load %arg7[%get3A_57, %get3A_58] : memref<1x10000xi32, #tpu.memory_space<vmem>>, vector<1x2000xi32>
    %broadcast_in_dim3A_60 = vector.shape_cast %get3A_59 : vector<1x2000xi32> to vector<1x2000xi32>
    %broadcast_in_dim3A_61 = vector.broadcast %broadcast_in_dim3A_60 : vector<1x2000xi32> to vector<256x2000xi32>
    %eq3A = vector.broadcast %iota3A : vector<256x1xi32> to vector<256x2000xi32>
    %eq3A_62 = arith.cmpi eq, %broadcast_in_dim3A_61, %eq3A : vector<256x2000xi32>
    %convert_element_type3A = arith.extui %eq3A_62 : vector<256x2000xi1> to vector<256x2000xi32>
    %convert_element_type3A_63 = arith.sitofp %convert_element_type3A : vector<256x2000xi32> to vector<256x2000xf32>
    %slice3A = vector.extract_strided_slice %add3A_54 {offsets = [0, 0], sizes = [2000, 8], strides = [1, 1]} : vector<10000x8xf32> to vector<2000x8xf32>
    %dot_general3A_64 = arith.constant dense<0.000000e+00> : vector<256x8xf32>
    %dot_general3A_65 = tpu.matmul %convert_element_type3A_63, %slice3A, %dot_general3A_64 {dimension_numbers = #tpu.dot_dimension_numbers<[1], [0], [0], [1], [0, 0, 1, 1], [], []>, precision = #tpu.contract_precision<fp32>, transpose_lhs_hint = false} : vector<256x2000xf32>, vector<2000x8xf32>, vector<256x8xf32> -> vector<256x8xf32>
    %add3A_66 = arith.addf %broadcast_in_dim3A_56, %dot_general3A_65 : vector<256x8xf32>
    %get3A_67 = arith.constant 0 : index
    %get3A_68 = arith.constant 2000 : index
    %get3A_69 = vector.load %arg7[%get3A_67, %get3A_68] : memref<1x10000xi32, #tpu.memory_space<vmem>>, vector<1x2000xi32>
    %broadcast_in_dim3A_70 = vector.shape_cast %get3A_69 : vector<1x2000xi32> to vector<1x2000xi32>
    %broadcast_in_dim3A_71 = vector.broadcast %broadcast_in_dim3A_70 : vector<1x2000xi32> to vector<256x2000xi32>
    %eq3A_72 = vector.broadcast %iota3A : vector<256x1xi32> to vector<256x2000xi32>
    %eq3A_73 = arith.cmpi eq, %broadcast_in_dim3A_71, %eq3A_72 : vector<256x2000xi32>
    %convert_element_type3A_74 = arith.extui %eq3A_73 : vector<256x2000xi1> to vector<256x2000xi32>
    %convert_element_type3A_75 = arith.sitofp %convert_element_type3A_74 : vector<256x2000xi32> to vector<256x2000xf32>
    %slice3A_76 = vector.extract_strided_slice %add3A_54 {offsets = [2000, 0], sizes = [2000, 8], strides = [1, 1]} : vector<10000x8xf32> to vector<2000x8xf32>
    %dot_general3A_77 = arith.constant dense<0.000000e+00> : vector<256x8xf32>
    %dot_general3A_78 = tpu.matmul %convert_element_type3A_75, %slice3A_76, %dot_general3A_77 {dimension_numbers = #tpu.dot_dimension_numbers<[1], [0], [0], [1], [0, 0, 1, 1], [], []>, precision = #tpu.contract_precision<fp32>, transpose_lhs_hint = false} : vector<256x2000xf32>, vector<2000x8xf32>, vector<256x8xf32> -> vector<256x8xf32>
    %add3A_79 = arith.addf %add3A_66, %dot_general3A_78 : vector<256x8xf32>
    %get3A_80 = arith.constant 0 : index
    %get3A_81 = arith.constant 4000 : index
    %get3A_82 = vector.load %arg7[%get3A_80, %get3A_81] : memref<1x10000xi32, #tpu.memory_space<vmem>>, vector<1x2000xi32>
    %broadcast_in_dim3A_83 = vector.shape_cast %get3A_82 : vector<1x2000xi32> to vector<1x2000xi32>
    %broadcast_in_dim3A_84 = vector.broadcast %broadcast_in_dim3A_83 : vector<1x2000xi32> to vector<256x2000xi32>
    %eq3A_85 = vector.broadcast %iota3A : vector<256x1xi32> to vector<256x2000xi32>
    %eq3A_86 = arith.cmpi eq, %broadcast_in_dim3A_84, %eq3A_85 : vector<256x2000xi32>
    %convert_element_type3A_87 = arith.extui %eq3A_86 : vector<256x2000xi1> to vector<256x2000xi32>
    %convert_element_type3A_88 = arith.sitofp %convert_element_type3A_87 : vector<256x2000xi32> to vector<256x2000xf32>
    %slice3A_89 = vector.extract_strided_slice %add3A_54 {offsets = [4000, 0], sizes = [2000, 8], strides = [1, 1]} : vector<10000x8xf32> to vector<2000x8xf32>
    %dot_general3A_90 = arith.constant dense<0.000000e+00> : vector<256x8xf32>
    %dot_general3A_91 = tpu.matmul %convert_element_type3A_88, %slice3A_89, %dot_general3A_90 {dimension_numbers = #tpu.dot_dimension_numbers<[1], [0], [0], [1], [0, 0, 1, 1], [], []>, precision = #tpu.contract_precision<fp32>, transpose_lhs_hint = false} : vector<256x2000xf32>, vector<2000x8xf32>, vector<256x8xf32> -> vector<256x8xf32>
    %add3A_92 = arith.addf %add3A_79, %dot_general3A_91 : vector<256x8xf32>
    %get3A_93 = arith.constant 0 : index
    %get3A_94 = arith.constant 6000 : index
    %get3A_95 = vector.load %arg7[%get3A_93, %get3A_94] : memref<1x10000xi32, #tpu.memory_space<vmem>>, vector<1x2000xi32>
    %broadcast_in_dim3A_96 = vector.shape_cast %get3A_95 : vector<1x2000xi32> to vector<1x2000xi32>
    %broadcast_in_dim3A_97 = vector.broadcast %broadcast_in_dim3A_96 : vector<1x2000xi32> to vector<256x2000xi32>
    %eq3A_98 = vector.broadcast %iota3A : vector<256x1xi32> to vector<256x2000xi32>
    %eq3A_99 = arith.cmpi eq, %broadcast_in_dim3A_97, %eq3A_98 : vector<256x2000xi32>
    %convert_element_type3A_100 = arith.extui %eq3A_99 : vector<256x2000xi1> to vector<256x2000xi32>
    %convert_element_type3A_101 = arith.sitofp %convert_element_type3A_100 : vector<256x2000xi32> to vector<256x2000xf32>
    %slice3A_102 = vector.extract_strided_slice %add3A_54 {offsets = [6000, 0], sizes = [2000, 8], strides = [1, 1]} : vector<10000x8xf32> to vector<2000x8xf32>
    %dot_general3A_103 = arith.constant dense<0.000000e+00> : vector<256x8xf32>
    %dot_general3A_104 = tpu.matmul %convert_element_type3A_101, %slice3A_102, %dot_general3A_103 {dimension_numbers = #tpu.dot_dimension_numbers<[1], [0], [0], [1], [0, 0, 1, 1], [], []>, precision = #tpu.contract_precision<fp32>, transpose_lhs_hint = false} : vector<256x2000xf32>, vector<2000x8xf32>, vector<256x8xf32> -> vector<256x8xf32>
    %add3A_105 = arith.addf %add3A_92, %dot_general3A_104 : vector<256x8xf32>
    %get3A_106 = arith.constant 0 : index
    %get3A_107 = arith.constant 8000 : index
    %get3A_108 = vector.load %arg7[%get3A_106, %get3A_107] : memref<1x10000xi32, #tpu.memory_space<vmem>>, vector<1x2000xi32>
    %broadcast_in_dim3A_109 = vector.shape_cast %get3A_108 : vector<1x2000xi32> to vector<1x2000xi32>
    %broadcast_in_dim3A_110 = vector.broadcast %broadcast_in_dim3A_109 : vector<1x2000xi32> to vector<256x2000xi32>
    %eq3A_111 = vector.broadcast %iota3A : vector<256x1xi32> to vector<256x2000xi32>
    %eq3A_112 = arith.cmpi eq, %broadcast_in_dim3A_110, %eq3A_111 : vector<256x2000xi32>
    %convert_element_type3A_113 = arith.extui %eq3A_112 : vector<256x2000xi1> to vector<256x2000xi32>
    %convert_element_type3A_114 = arith.sitofp %convert_element_type3A_113 : vector<256x2000xi32> to vector<256x2000xf32>
    %slice3A_115 = vector.extract_strided_slice %add3A_54 {offsets = [8000, 0], sizes = [2000, 8], strides = [1, 1]} : vector<10000x8xf32> to vector<2000x8xf32>
    %dot_general3A_116 = arith.constant dense<0.000000e+00> : vector<256x8xf32>
    %dot_general3A_117 = tpu.matmul %convert_element_type3A_114, %slice3A_115, %dot_general3A_116 {dimension_numbers = #tpu.dot_dimension_numbers<[1], [0], [0], [1], [0, 0, 1, 1], [], []>, precision = #tpu.contract_precision<fp32>, transpose_lhs_hint = false} : vector<256x2000xf32>, vector<2000x8xf32>, vector<256x8xf32> -> vector<256x8xf32>
    %add3A_118 = arith.addf %add3A_105, %dot_general3A_117 : vector<256x8xf32>
    %max3A_119 = arith.constant 0.000000e+00 : f32
    %max3A_120 = vector.broadcast %max3A_119 : f32 to vector<256x8xf32>
    %max3A_121 = arith.maximumf %add3A_118, %max3A_120 : vector<256x8xf32>
    %get3A_122 = arith.constant 0 : index
    %get3A_123 = arith.constant 0 : index
    %get3A_124 = vector.load %arg8[%get3A_122, %get3A_123] : memref<1x8xf32, #tpu.memory_space<vmem>>, vector<1x8xf32>
    %mul3A_125 = vector.broadcast %get3A_124 : vector<1x8xf32> to vector<256x8xf32>
    %mul3A_126 = arith.mulf %max3A_121, %mul3A_125 : vector<256x8xf32>
    %reduce_sum3A_127 = arith.constant dense<0.000000e+00> : vector<256xf32>
    %reduce_sum3A_128 = vector.multi_reduction <add>, %mul3A_126, %reduce_sum3A_127 [1] : vector<256x8xf32> to vector<256xf32>
    %broadcast_in_dim3A_129 = vector.shape_cast %reduce_sum3A_128 : vector<256xf32> to vector<256x1xf32>
    %get3A_130 = arith.constant 0 : index
    %get3A_131 = arith.constant 0 : index
    %get3A_132 = vector.load %arg9[%get3A_130, %get3A_131] : memref<1x1xf32, #tpu.memory_space<vmem>>, vector<1x1xf32>
    %add3A_133 = vector.broadcast %get3A_132 : vector<1x1xf32> to vector<256x1xf32>
    %add3A_134 = arith.addf %broadcast_in_dim3A_129, %add3A_133 : vector<256x1xf32>
    %swap3A = arith.constant 0 : index
    %swap3A_135 = arith.constant 0 : index
    %swap3A_136 = vector.load %arg10[%swap3A, %swap3A_135] : memref<256x1xf32, #tpu.memory_space<vmem>>, vector<256x1xf32>
    tpu.vector_store %arg10[%swap3A, %swap3A_135], %add3A_134 {strides = array<i32>} : memref<256x1xf32, #tpu.memory_space<vmem>>, vector<256x1xf32>,
    return
  }
}

</mosaic_0001>

<sc_bundles>
// kernel: kernel.12.cloned.1.call-start
scs
__scs_entry_jumppad:
0x0: {  	(pc) =	sbr.rel $0x88, $3  }
0x1: {  	(tag) =	ssettag $0x0;
	lr =	simm.s32 $0x1  }
0x2: {  	[smem:$0x3F95] =	sst lr;
	_ =	strace $0xD0000000  }
0x3: {  	_ = 	snop  }
0x4: {  	_ = 	snop  }
0x5: {  	_ = 	snop  }
0x6: {  	_ = 	snop  }
0x7: {  	_ = 	snop  }
__scs_overlays_trampoline_lowered:
0x8: {  	[smem:$0x3FA4] =	sst s0  }
0x9: {  	[smem:$0x3FA5] =	sst s1  }
0xa: {  	[smem:$0x3FA6] =	sst s2  }
0xb: {  	[smem:$0x3FA7] =	sst s3  }
0xc: {  	[smem:$0x3FA8] =	sst s4  }
0xd: {  	[smem:$0x3FA9] =	sst s5  }
0xe: {  	[smem:$0x3FAA] =	sst s6  }
0xf: {  	[smem:$0x3FAB] =	sst s7  }
0x10: {  	[smem:$0x3FAC] =	sst s8  }
0x11: {  	[smem:$0x3FAD] =	sst s9;
	s0 =	simm.s32 @!p0 $0x0  }
0x12: {  	s1 =	sld [smem:$0x3F93];
	s0 =	simm.s32 @p0 $0x1  }
0x13: {  	[smem:$0x3FAE] =	sst s0;
	s0 =	simm.s32 @!p1 $0x0  }
0x14: {  	s2 =	sld [smem:$0x3F92];
	s0 =	simm.s32 @p1 $0x1  }
0x15: {  	[smem:$0x3FAF] =	sst s0;
	s0 =	simm.s32 @!p2 $0x0  }
0x16: {  	s3 =	sld [smem:$0x3FDB];
	s0 =	simm.s32 @p2 $0x1  }
0x17: {  	s4 =	simm.s32 $0x1BF5;
	[smem:$0x3FB1] =	sst s0  }
0x18: {  	s0 =	sld [smem:$0x3F94];
	_ =	swait.ge [sflag:s4], $0x0  }
0x19: {  	s7 =	sld [smem:$0x3F95]  }
0x1a: {  	s8 =	sadd.s32 $0xFFFFE003, lr  }
0x1b: {  	s9 =	sadd.s32 $0xFFFFFEF7, lr;
	s5 =	simm.s32 $0xFFFFFFFF;
	p2 =	slt.u32 s8, $0xFFFFF086  }
0x1c: {  	p1 =	slt.u32 s9, $0xF7A;
	s5 =	simm.s32 @!p2 $0x0  }
0x1d: {  	s5 =	simm.s32 @p1 $0x1;
	p0 =	seq.s32 s7, s2  }
0x1e: {  	s7 =	smul.u32 @!p0 $0xF7A, s2;
	p2 =	seq.s32 @!p0 s5, $0x0  }
0x1f: {  	s9 =	smul.u32 $0xF7A, s1;
	s8 =	simm.s32 @!p0 $0x1BF5;
	p2 =	por !p2, p0  }
0x20: {  	[sflag:s8] =	ssyncset.s32 @!p0 $0xFFFFF086;
	s6 =	sadd.s32 @!p0 s3, s7;
	s7 =	simm.s32 @!p0 $0x108  }
0x21: {  	s3 =	sadd.s32 s3, s9;
	s6 =	sadd.s32 @!p0 $0x88, s6;
	s7 =	simm.s32 @p2 $0x1082  }
0x22: {  	[simem:s7], [sflag:s8] =	dma.local @!p0 [hbm:s6], $0xF7A  }
0x23: {  	s9 =	sor.u32 $0xD0000000, s2;
	s6 =	simm.s32 $0x108;
	_ =	swait.ge @!p0 [sflag:s8], $0x0  }
0x24: {  	s3 =	sadd.s32 $0x88, s3;
	s6 =	simm.s32 @!p1 $0x1082;
	[sflag:s4] =	ssyncset.s32 $0xFFFFF086  }
0x25: {  	[simem:s6], [sflag:s4] =	dma.local [hbm:s3], $0xF7A  }
0x26: {  	[smem:$0x3F95] =	sst s1;
	(tag) =	ssettag s2;
	_ =	strace s9  }
0x27: {  	s1 =	sld [smem:$0x3FA5]  }
0x28: {  	s2 =	sld [smem:$0x3FA6]  }
0x29: {  	s4 =	sld [smem:$0x3FA8]  }
0x2a: {  	p0 =	seq.s32 s5, $0x0;
	s5 =	sld [smem:$0x3FA9]  }
0x2b: {  	s6 =	sld [smem:$0x3FAA]  }
0x2c: {  	s7 =	sld [smem:$0x3FAB]  }
0x2d: {  	s3 =	simm.s32 $0x108;
	s8 =	sld [smem:$0x3FAC]  }
0x2e: {  	s3 =	simm.s32 @!p0 $0x1082;
	s9 =	sld [smem:$0x3FAD]  }
0x2f: {  	lr =	sadd.s32 s0, s3;
	s0 =	sld [smem:$0x3FA4]  }
0x30: {  	s3 =	sld [smem:$0x3FA7]  }
0x31: {  	[smem:$0x3FB0] =	sst s10  }
0x32: {  	s10 =	sld [smem:$0x3FAE];
	_ =	sdelay $0x3  }
0x33: {  	p0 =	seq.s32 s10, $0x1;
	s10 =	sld [smem:$0x3FB0];
	_ =	sdelay $0x3  }
0x34: {  	[smem:$0x3FB0] =	sst s10  }
0x35: {  	s10 =	sld [smem:$0x3FAF];
	_ =	sdelay $0x3  }
0x36: {  	p1 =	seq.s32 s10, $0x1;
	s10 =	sld [smem:$0x3FB0];
	_ =	sdelay $0x3  }
0x37: {  	[smem:$0x3FB0] =	sst s10  }
0x38: {  	s10 =	sld [smem:$0x3FB1]  }
0x39: {  	_ = 	snop;
	(pc) =	sbr.ind lr, $3  }
0x3a: {  	_ = 	snop  }
0x3b: {  	_ = 	snop  }
0x3c: {  	p2 =	seq.s32 s10, $0x1;
	s10 =	sld [smem:$0x3FB0]  }
0x3d: {  	_ =	shalt  }
0x3e: {  	_ =	shalt  }
0x3f: {  	_ =	shalt  }
0x40: {  	_ =	shalt  }
0x41: {  	_ =	shalt  }
0x42: {  	_ =	shalt  }
0x43: {  	_ =	shalt  }
0x44: {  	_ =	shalt  }
0x45: {  	_ =	shalt  }
0x46: {  	_ =	shalt  }
0x47: {  	_ =	shalt  }
0x48: {  	_ =	shalt  }
0x49: {  	_ =	shalt  }
0x4a: {  	_ =	shalt  }
0x4b: {  	_ =	shalt  }
0x4c: {  	_ =	shalt  }
0x4d: {  	_ =	shalt  }
0x4e: {  	_ =	shalt  }
0x4f: {  	_ =	shalt  }
0x50: {  	_ =	shalt  }
0x51: {  	_ =	shalt  }
0x52: {  	_ =	shalt  }
0x53: {  	_ =	shalt  }
0x54: {  	_ =	shalt  }
0x55: {  	_ =	shalt  }
0x56: {  	_ =	shalt  }
0x57: {  	_ =	shalt  }
0x58: {  	_ =	shalt  }
0x59: {  	_ =	shalt  }
0x5a: {  	_ =	shalt  }
0x5b: {  	_ =	shalt  }
0x5c: {  	_ =	shalt  }
0x5d: {  	_ =	shalt  }
0x5e: {  	_ =	shalt  }
0x5f: {  	_ =	shalt  }
0x60: {  	_ =	shalt  }
0x61: {  	_ =	shalt  }
0x62: {  	_ =	shalt  }
0x63: {  	_ =	shalt  }
0x64: {  	_ =	shalt  }
0x65: {  	_ =	shalt  }
0x66: {  	_ =	shalt  }
0x67: {  	_ =	shalt  }
0x68: {  	_ =	shalt  }
0x69: {  	_ =	shalt  }
0x6a: {  	_ =	shalt  }
0x6b: {  	_ =	shalt  }
0x6c: {  	_ =	shalt  }
0x6d: {  	_ =	shalt  }
0x6e: {  	_ =	shalt  }
0x6f: {  	_ =	shalt  }
0x70: {  	_ =	shalt  }
0x71: {  	_ =	shalt  }
0x72: {  	_ =	shalt  }
0x73: {  	_ =	shalt  }
0x74: {  	_ =	shalt  }
0x75: {  	_ =	shalt  }
0x76: {  	_ =	shalt  }
0x77: {  	_ =	shalt  }
0x78: {  	_ =	shalt  }
0x79: {  	_ =	shalt  }
0x7a: {  	_ =	shalt  }
0x7b: {  	_ =	shalt  }
0x7c: {  	_ =	shalt  }
0x7d: {  	_ =	shalt  }
0x7e: {  	_ =	shalt  }
0x7f: {  	_ =	shalt  }
0x80: {  	_ =	shalt  }
0x81: {  	_ =	shalt  }
0x82: {  	_ =	shalt  }
0x83: {  	_ =	shalt  }
0x84: {  	_ =	shalt  }
0x85: {  	_ =	shalt  }
0x86: {  	_ =	shalt  }
0x87: {  	_ =	shalt  }
.Lfunc_end0:
.L_simem_size_0:
called_computation.1_lowered:
.L_overlay_start_0:
0x88: {  	s2 =	sld [smem:$0x3FD9]  }
0x89: {  	s3 =	sld [smem:$0x3FFE];
	_ =	sdelay $0x1  }
0x8a: {  	s1 =	srdreg.scid  }
0x8b: {  	s0 =	sand.u32 $0x1, s1  }
0x8c: {  	s17 =	sshll.u32 s0, $0xA;
	s2 =	sadd.s32 s3, s2  }
0x8d: {  	s2 =	sadd.s32 s2, s17  }
0x8e: {  	[smem:$0x3FBC] =	sst s2  }
0x8f: {  	_ = 	snop  }
0x90: {  	s2 =	sld [smem:$0x3FC9];
	(tm) =	ssettm $0x1  }
0x91: {  	s18 =	sld [smem:$0x3FFB];
	_ =	sdelay $0x3  }
0x92: {  	_ =	strace s18  }
0x93: {  	s3 =	sld [smem:$0x3FFC];
	_ =	sdelay $0x3  }
0x94: {  	_ =	strace s3  }
0x95: {  	s3 =	sld [smem:$0x3FFD];
	_ =	sdelay $0x3  }
0x96: {  	_ =	strace s3  }
0x97: {  	_ =	strace $0x8FFFFFFF  }
0x98: {  	s19 =	sld [smem:$0x3FDB];
	_ =	sdelay $0x1  }
0x99: {  	s4 =	simm.s32 $_scs_section_size  }
0x9a: {  	s5 =	simm.s32 $_size__tile_overlayer_lowered;
	s6 =	simm.s32 $_tile_overlayer_lowered  }
0x9b: {  	s22 =	simm.s32 $0x1BFF;
	s21 =	sshll.u32 s6, $0x1;
	s3 =	sadd.s32 s4, s19  }
0x9c: {  	s7 =	simm.s32 $0x0;
	s20 =	sshll.u32 s5, $0x1;
	s5 =	sadd.s32 s21, s3  }
0x9d: {  	[timem:s7], [sflag:s22] =	dma.local [hbm:s5], s20  }
0x9e: {  	_ =	swait.ge [sflag:s22], s20  }
0x9f: {  	s4 =	ssub.s32 $0x0, s20;
	[sflag:s22] =	ssyncset.done $0x0  }
0xa0: {  	[sflag:s22] =	ssyncadd.s32 s4;
	_ =	sdelay $0x1  }
0xa1: {  	s23 =	simm.s32 $0x1B8B  }
0xa2: {  	_ =	swait.ge [sflag:s23], $0x1  }
0xa3: {  	[sflag:s23] =	ssyncset.done $0x0  }
0xa4: {  	s25 =	simm.s32 $0x1B8E;
	s24 =	sld [smem:$0x3FFE];
	[sflag:s23] =	ssyncadd.s32 $0xFFFFFFFF  }
0xa5: {  	s26 =	simm.s32 $execute0_lowered;
	[smem:$0x3FD2] =	sst s25  }
0xa6: {  	s5 =	sshll.u32 s26, $0x1;
	_ =	strace $0x80000046;
	[dreg:$0x1] =	wrdreg $0xFFFFFFFF  }
0xa7: {  	s28 =	simm.s32 $_size_execute0_lowered;
	s3 =	sadd.s32 s3, s5;
	[dreg:$0x0] =	wrdreg $0x0  }
0xa8: {  	s5 =	sshll.u32 s28, $0x1;
	[dreg:$0x2] =	wrdreg s3  }
0xa9: {  	[dreg:$0x3] =	wrdreg s5  }
0xaa: {  	[dreg:$0x4] =	wrdreg $0xC0  }
0xab: {  	_ =	task [dreg:s7], $0x5FFFF  }
0xac: {  	[dreg:$0x1] =	wrdreg $0xFFFFFFFF  }
0xad: {  	[dreg:$0x0] =	wrdreg $0x60  }
0xae: {  	[dreg:$0x2] =	wrdreg s2  }
0xaf: {  	[dreg:$0x3] =	wrdreg s24  }
0xb0: {  	[dreg:$0x4] =	wrdreg $0xA  }
0xb1: {  	_ =	task.clear_ibuf [dreg:s7], $0x5FFFF;
	_ =	strace $0x90000046  }
0xb2: {  	s29 =	simm.s32 $0xA;
	_ =	strace $0x80000048  }
0xb3: {  	_ =	swait.ge [sflag:s29], $0x1  }
0xb4: {  	[sflag:s29] =	ssyncadd.s32 $0xFFFFFFFF  }
0xb5: {  	_ =	strace $0x90000048  }
0xb6: {  	_ =	sfence  }
0xb7: {  	s30 =	sld [smem:$0x0];
	_ =	sdelay $0x2  }
0xb8: {  	s31 =	sshll.u32 s1, $0xD;
	s1 =	sshrl.u32 s1, $0x2  }
0xb9: {  	s3 =	sand.u32 $0x4000, s31;
	s1 =	sadd.s32 s1, s30  }
0xba: {  	s0 =	sor.u32 s3, s0;
	s1 =	sshll.u32 s1, $0x11  }
0xbb: {  	s0 =	sor.u32 s1, s0  }
0xbc: {  	s0 =	sadd.s32 $0x8F2B, s0  }
0xbd: {  	[sflag:s0] =	ssyncadd.remote.s32 $0x1  }
0xbe: {  	_ =	sfence.sel $0xFFFF  }
0xbf: {  	[dreg:$0x0] =	wrdreg $0xFFFFFFFF;
	(pc) =	sbr.abs _section_cstart, $3  }
0xc0: {  	[dreg:$0x1] =	wrdreg $0xFFFFFFFF  }
0xc1: {  	_ =	task.clear_ibuf [dreg:s7], $0x2FFFF;
	_ =	strace $0x9FFFFFFF  }
0xc2: {  	(tm) =	ssettm $0x7FFFFFFF  }
0xc3: {  	_ =	shalt  }
tec
execute0_lowered:
.L_overlay_start_1:
0x0: {  	(tag) =	ssettag $0x1  }
0x1: {  	s1 =	rddreg [dreg:$0x0]  }
0x2: {  	s4 =	rddreg [dreg:$0x1]  }
0x3: {  	s0 =	rddreg [dreg:$0x2]  }
0x4: {  	s3 =	simm.s32 $0x0;
	s5 =	srdreg.scid;
	s2 =	stileid.u32  }
0x5: {  	[smem:$0x7FF] =	sst s3;
	s6 =	sand.u32 $0x1, s5;
	s30 =	smul.u32 $0x13000, s2  }
0x6: {  	s25 =	sshll.u32 s2, $0x1;
	s8 =	sadd.s32 $0x1E00, s4;
	s13 =	smul.u32 $0x260, s2  }
0x7: {  	s26 =	sadd.s32 $0x4600, s4;
	s7 =	ssub.s32 $0x2, s6;
	s11 =	smul.u32 $0x9800, s6  }
0x8: {  	s12 =	sor.u32 s6, s25;
	_ =	strace $0x80000047;
	s31 =	smul.u32 $0x130, s6  }
0x9: {  	s28 =	sshrl.u32 s7, $0x1;
	s9 =	sshll.u32 s12, $0x7;
	p0 =	sgt.u32 s12, $0x10  }
0xa: {  	s12 =	simm.s32 $0x0;
	s7 =	ssub.s32 s7, s28;
	s29 =	sor.u32 $0x13000, s9  }
0xb: {  	s9 =	sadd.s32 s30, s26;
	s10 =	sshrl.u32 s29, $0x3;
	s4 =	sshll.u32 s29, $0x4  }
0xc: {  	s6 =	smax.u32 s7, $0x1;
	s7 =	sadd.s32 s11, s9;
	s9 =	simm.s32 $0x2  }
0xd: {  	s11 =	simm.s32 $0x1;
	s5 =	sadd.s32 s8, s10;
	s8 =	sadd.s32 s13, s8  }
0xe: {  	s4 =	sadd.s32 s26, s4;
	s10 =	simm.s32 $0x80;
	s8 =	sadd.s32 s31, s8  }
.LBB2_1:
0xf: {  	s13 =	sadd.s32 $0x0, s8  }
0x10: {  	[tilespmem:s3], [sflag:$0x2] =	stream.linear.gather [hbm4b:s13+s3], $0x80, $0x38;
	[tilespmem:$0x4080] =	vst v63  }
0x11: {  	_ =	swait.ge [sflag:s9], $0x80  }
0x12: {  	[sflag:s9] =	ssyncset.done $0x0  }
0x13: {  	[sflag:s9] =	ssyncadd.s32 $0xFFFFFF80  }
0x14: {  	[tilespmem:s10], [sflag:$0x1] =	stream.indirect.gather [hbm4b:s1+s10], $0x80, s3, s10, $0xb8;
	[tilespmem:$0x4080] =	vst v63  }
0x15: {  	_ =	swait.ge [sflag:s11], $0x4000  }
0x16: {  	[sflag:s11] =	ssyncset.done $0x0  }
0x17: {  	[sflag:s11] =	ssyncadd.s32 $0xFFFFC000  }
0x18: {  	[hbm4b:s7+s3] =	stream.linear.scatter [tilespmem:s10], [sflag:$0x2], $0x4000, $0x38;
	[tilespmem:$0x4080] =	vst v63  }
0x19: {  	s14 =	simm.s32 $0x10;
	_ =	swait.ge [sflag:s9], $0x4000  }
0x1a: {  	s15 =	simm.s32 $0x20;
	s13 =	sadd.s32 $0x800, s7;
	[sflag:s9] =	ssyncset.done $0x0  }
.LBB2_2:
0x1b: {  	s16 =	sadd.s32 s14, s8  }
0x1c: {  	[sflag:s9] =	ssyncadd.s32 $0xFFFFC000;
	s14 =	smov.u32 s15;
	s17 =	sadd.s32 $0x10, s15  }
0x1d: {  	[tilespmem:s3], [sflag:$0x2] =	stream.linear.gather [hbm4b:s16+s3], $0x80, $0x38;
	[tilespmem:$0x4080] =	vst v63  }
0x1e: {  	p1 =	sne.s32 s15, $0x120;
	_ =	swait.ge [sflag:s9], $0x80  }
0x1f: {  	[sflag:s9] =	ssyncset.done $0x0  }
0x20: {  	[sflag:s9] =	ssyncadd.s32 $0xFFFFFF80  }
0x21: {  	[tilespmem:s10], [sflag:$0x1] =	stream.indirect.gather [hbm4b:s1+s10], $0x80, s3, s10, $0xb8;
	[tilespmem:$0x4080] =	vst v63  }
0x22: {  	_ =	swait.ge [sflag:s11], $0x4000  }
.Ltmp0:
0x23: {  	[sflag:s11] =	ssyncset.done $0x0;
	(pc) =	sbr.rel @p1 .LBB2_2-.Ltmp0, $4  }
0x24: {  	[sflag:s11] =	ssyncadd.s32 $0xFFFFC000  }
0x25: {  	[hbm4b:s13+s3] =	stream.linear.scatter [tilespmem:s10], [sflag:$0x2], $0x4000, $0x38;
	[tilespmem:$0x4080] =	vst v63  }
0x26: {  	_ =	swait.ge [sflag:s9], $0x4000  }
0x27: {  	s15 =	smov.u32 s17;
	s13 =	sadd.s32 $0x800, s13;
	[sflag:s9] =	ssyncset.done $0x0  }
0x28: {  	s14 =	sadd.s32 s14, s8;
	[sflag:s9] =	ssyncadd.s32 $0xFFFFC000  }
0x29: {  	[tilespmem:s3], [sflag:$0x2] =	stream.linear.gather [hbm4b:s14+s3], $0x80, $0x38;
	[tilespmem:$0x4080] =	vst v63  }
0x2a: {  	_ =	swait.ge [sflag:s9], $0x80  }
0x2b: {  	[sflag:s9] =	ssyncset.done $0x0  }
0x2c: {  	[sflag:s9] =	ssyncadd.s32 $0xFFFFFF80  }
0x2d: {  	[tilespmem:s10], [sflag:$0x1] =	stream.indirect.gather [hbm4b:s1+s10], $0x80, s3, s10, $0xb8;
	[tilespmem:$0x4080] =	vst v63  }
0x2e: {  	_ =	swait.ge [sflag:s11], $0x4000  }
0x2f: {  	[sflag:s11] =	ssyncset.done $0x0  }
0x30: {  	[sflag:s11] =	ssyncadd.s32 $0xFFFFC000  }
0x31: {  	[hbm4b:s13+s3] =	stream.linear.scatter [tilespmem:s10], [sflag:$0x2], $0x4000, $0x38;
	[tilespmem:$0x4080] =	vst v63  }
0x32: {  	_ =	swait.ge [sflag:s9], $0x4000  }
0x33: {  	[sflag:s9] =	ssyncset.done $0x0  }
0x34: {  	s14 =	simm.s32 @!p0 $0x2;
	s13 =	simm.s32 @!p0 $0x0;
	[sflag:s9] =	ssyncadd.s32 $0xFFFFC000  }
0x35: {  	[tilespmem:s13], [sflag:$0x2] =	stream.linear.gather @!p0 [hbm4b:s5+s13], $0x80, $0x38;
	[tilespmem:$0x4080] =	vst v63  }
0x36: {  	_ =	swait.ge @!p0 [sflag:s14], $0x80  }
0x37: {  	[sflag:s14] =	ssyncset.done @!p0 $0x0  }
0x38: {  	s15 =	simm.s32 @!p0 $0x80;
	s16 =	simm.s32 @!p0 $0x1;
	[sflag:s14] =	ssyncadd.s32 @!p0 $0xFFFFFF80  }
0x39: {  	[tilespmem:s15], [sflag:$0x1] =	stream.indirect.gather @!p0 [hbm4b:s1+s15], $0x80, s13, s15, $0xb8;
	[tilespmem:$0x4080] =	vst v63  }
0x3a: {  	s12 =	sadd.s32 $0x1, s12;
	_ =	swait.ge @!p0 [sflag:s16], $0x4000  }
0x3b: {  	p1 =	sne.s32 s12, s6;
	[sflag:s16] =	ssyncset.done @!p0 $0x0  }
.Ltmp1:
0x3c: {  	[sflag:s16] =	ssyncadd.s32 @!p0 $0xFFFFC000;
	(pc) =	sbr.rel @p1 .LBB2_1-.Ltmp1, $4  }
0x3d: {  	[hbm4b:s4+s13] =	stream.linear.scatter @!p0 [tilespmem:s15], [sflag:$0x2], $0x4000, $0x38;
	[tilespmem:$0x4080] =	vst v63  }
0x3e: {  	_ =	swait.ge @!p0 [sflag:s14], $0x4000  }
0x3f: {  	[sflag:s14] =	ssyncset.done @!p0 $0x0  }
0x40: {  	[sflag:s14] =	ssyncadd.s32 @!p0 $0xFFFFC000  }
0x41: {  	_ =	sfence.sel $0x180000  }
0x42: {  	[bflag:$0x0] =	sbarrier.arrive $0xFFFF  }
0x43: {  	p0 =	sne.s32 s2, $0x0;
	_ =	strace $0x90000047  }
0x44: {  	s0 =	sadd.s32 @!p0 $0x100000, s0;
	[bflag:$0x2] =	sbarrier.arrive $0xFFFF  }
0x45: {  	[sflag:s0] =	ssyncadd.tile.s32 @!p0 $0x1;
	_ =	shalt  }
.Lfunc_end2:
_tile_overlayer_lowered:
.L_overlay_start_2:
0x46: {  	(tag) =	ssettag $0x2  }
0x47: {  	s0 =	rddreg [dreg:$0x0];
	s2 =	stileid.u32  }
0x48: {  	s1 =	rddreg [dreg:$0x1];
	p0 =	sne.s32 s2, $0x0  }
0x49: {  	s3 =	rddreg [dreg:$0x2];
	[bflag:$0x3] =	sbarrier.arrive $0xFFFF;
	s2 =	simm.s32 @!p0 $0x1C02  }
0x4a: {  	[timem:s3], [sflag:s2] =	dma.local @!p0 [hbm:s0], s1  }
0x4b: {  	s0 =	simm.s32 @!p0 $0x2  }
0x4c: {  	_ =	swait.ge @!p0 [sflag:s0], s1  }
0x4d: {  	s1 =	ssub.s32 @!p0 $0x0, s1;
	[sflag:s0] =	ssyncset.done @!p0 $0x0  }
0x4e: {  	[sflag:s0] =	ssyncadd.s32 @!p0 s1  }
0x4f: {  	[bflag:$0x3] =	sbarrier.arrive $0xFFFF  }
0x50: {  	_ =	shalt  }

// kernel: kernel.15.cloned.1.call-start
scs
__scs_entry_jumppad:
0x0: {  	(pc) =	sbr.rel $0x88, $3  }
0x1: {  	(tag) =	ssettag $0x0;
	lr =	simm.s32 $0x1  }
0x2: {  	[smem:$0x3F95] =	sst lr;
	_ =	strace $0xD0000000  }
0x3: {  	_ = 	snop  }
0x4: {  	_ = 	snop  }
0x5: {  	_ = 	snop  }
0x6: {  	_ = 	snop  }
0x7: {  	_ = 	snop  }
__scs_overlays_trampoline_lowered:
0x8: {  	[smem:$0x3FA4] =	sst s0  }
0x9: {  	[smem:$0x3FA5] =	sst s1  }
0xa: {  	[smem:$0x3FA6] =	sst s2  }
0xb: {  	[smem:$0x3FA7] =	sst s3  }
0xc: {  	[smem:$0x3FA8] =	sst s4  }
0xd: {  	[smem:$0x3FA9] =	sst s5  }
0xe: {  	[smem:$0x3FAA] =	sst s6  }
0xf: {  	[smem:$0x3FAB] =	sst s7  }
0x10: {  	[smem:$0x3FAC] =	sst s8  }
0x11: {  	[smem:$0x3FAD] =	sst s9;
	s0 =	simm.s32 @!p0 $0x0  }
0x12: {  	s1 =	sld [smem:$0x3F93];
	s0 =	simm.s32 @p0 $0x1  }
0x13: {  	[smem:$0x3FAE] =	sst s0;
	s0 =	simm.s32 @!p1 $0x0  }
0x14: {  	s2 =	sld [smem:$0x3F92];
	s0 =	simm.s32 @p1 $0x1  }
0x15: {  	[smem:$0x3FAF] =	sst s0;
	s0 =	simm.s32 @!p2 $0x0  }
0x16: {  	s3 =	sld [smem:$0x3FDB];
	s0 =	simm.s32 @p2 $0x1  }
0x17: {  	s4 =	simm.s32 $0x1BF5;
	[smem:$0x3FB1] =	sst s0  }
0x18: {  	s0 =	sld [smem:$0x3F94];
	_ =	swait.ge [sflag:s4], $0x0  }
0x19: {  	s7 =	sld [smem:$0x3F95]  }
0x1a: {  	s8 =	sadd.s32 $0xFFFFE003, lr  }
0x1b: {  	s9 =	sadd.s32 $0xFFFFFEF7, lr;
	s5 =	simm.s32 $0xFFFFFFFF;
	p2 =	slt.u32 s8, $0xFFFFF086  }
0x1c: {  	p1 =	slt.u32 s9, $0xF7A;
	s5 =	simm.s32 @!p2 $0x0  }
0x1d: {  	s5 =	simm.s32 @p1 $0x1;
	p0 =	seq.s32 s7, s2  }
0x1e: {  	s7 =	smul.u32 @!p0 $0xF7A, s2;
	p2 =	seq.s32 @!p0 s5, $0x0  }
0x1f: {  	s9 =	smul.u32 $0xF7A, s1;
	s8 =	simm.s32 @!p0 $0x1BF5;
	p2 =	por !p2, p0  }
0x20: {  	[sflag:s8] =	ssyncset.s32 @!p0 $0xFFFFF086;
	s6 =	sadd.s32 @!p0 s3, s7;
	s7 =	simm.s32 @!p0 $0x108  }
0x21: {  	s3 =	sadd.s32 s3, s9;
	s6 =	sadd.s32 @!p0 $0x88, s6;
	s7 =	simm.s32 @p2 $0x1082  }
0x22: {  	[simem:s7], [sflag:s8] =	dma.local @!p0 [hbm:s6], $0xF7A  }
0x23: {  	s9 =	sor.u32 $0xD0000000, s2;
	s6 =	simm.s32 $0x108;
	_ =	swait.ge @!p0 [sflag:s8], $0x0  }
0x24: {  	s3 =	sadd.s32 $0x88, s3;
	s6 =	simm.s32 @!p1 $0x1082;
	[sflag:s4] =	ssyncset.s32 $0xFFFFF086  }
0x25: {  	[simem:s6], [sflag:s4] =	dma.local [hbm:s3], $0xF7A  }
0x26: {  	[smem:$0x3F95] =	sst s1;
	(tag) =	ssettag s2;
	_ =	strace s9  }
0x27: {  	s1 =	sld [smem:$0x3FA5]  }
0x28: {  	s2 =	sld [smem:$0x3FA6]  }
0x29: {  	s4 =	sld [smem:$0x3FA8]  }
0x2a: {  	p0 =	seq.s32 s5, $0x0;
	s5 =	sld [smem:$0x3FA9]  }
0x2b: {  	s6 =	sld [smem:$0x3FAA]  }
0x2c: {  	s7 =	sld [smem:$0x3FAB]  }
0x2d: {  	s3 =	simm.s32 $0x108;
	s8 =	sld [smem:$0x3FAC]  }
0x2e: {  	s3 =	simm.s32 @!p0 $0x1082;
	s9 =	sld [smem:$0x3FAD]  }
0x2f: {  	lr =	sadd.s32 s0, s3;
	s0 =	sld [smem:$0x3FA4]  }
0x30: {  	s3 =	sld [smem:$0x3FA7]  }
0x31: {  	[smem:$0x3FB0] =	sst s10  }
0x32: {  	s10 =	sld [smem:$0x3FAE];
	_ =	sdelay $0x3  }
0x33: {  	p0 =	seq.s32 s10, $0x1;
	s10 =	sld [smem:$0x3FB0];
	_ =	sdelay $0x3  }
0x34: {  	[smem:$0x3FB0] =	sst s10  }
0x35: {  	s10 =	sld [smem:$0x3FAF];
	_ =	sdelay $0x3  }
0x36: {  	p1 =	seq.s32 s10, $0x1;
	s10 =	sld [smem:$0x3FB0];
	_ =	sdelay $0x3  }
0x37: {  	[smem:$0x3FB0] =	sst s10  }
0x38: {  	s10 =	sld [smem:$0x3FB1]  }
0x39: {  	_ = 	snop;
	(pc) =	sbr.ind lr, $3  }
0x3a: {  	_ = 	snop  }
0x3b: {  	_ = 	snop  }
0x3c: {  	p2 =	seq.s32 s10, $0x1;
	s10 =	sld [smem:$0x3FB0]  }
0x3d: {  	_ =	shalt  }
0x3e: {  	_ =	shalt  }
0x3f: {  	_ =	shalt  }
0x40: {  	_ =	shalt  }
0x41: {  	_ =	shalt  }
0x42: {  	_ =	shalt  }
0x43: {  	_ =	shalt  }
0x44: {  	_ =	shalt  }
0x45: {  	_ =	shalt  }
0x46: {  	_ =	shalt  }
0x47: {  	_ =	shalt  }
0x48: {  	_ =	shalt  }
0x49: {  	_ =	shalt  }
0x4a: {  	_ =	shalt  }
0x4b: {  	_ =	shalt  }
0x4c: {  	_ =	shalt  }
0x4d: {  	_ =	shalt  }
0x4e: {  	_ =	shalt  }
0x4f: {  	_ =	shalt  }
0x50: {  	_ =	shalt  }
0x51: {  	_ =	shalt  }
0x52: {  	_ =	shalt  }
0x53: {  	_ =	shalt  }
0x54: {  	_ =	shalt  }
0x55: {  	_ =	shalt  }
0x56: {  	_ =	shalt  }
0x57: {  	_ =	shalt  }
0x58: {  	_ =	shalt  }
0x59: {  	_ =	shalt  }
0x5a: {  	_ =	shalt  }
0x5b: {  	_ =	shalt  }
0x5c: {  	_ =	shalt  }
0x5d: {  	_ =	shalt  }
0x5e: {  	_ =	shalt  }
0x5f: {  	_ =	shalt  }
0x60: {  	_ =	shalt  }
0x61: {  	_ =	shalt  }
0x62: {  	_ =	shalt  }
0x63: {  	_ =	shalt  }
0x64: {  	_ =	shalt  }
0x65: {  	_ =	shalt  }
0x66: {  	_ =	shalt  }
0x67: {  	_ =	shalt  }
0x68: {  	_ =	shalt  }
0x69: {  	_ =	shalt  }
0x6a: {  	_ =	shalt  }
0x6b: {  	_ =	shalt  }
0x6c: {  	_ =	shalt  }
0x6d: {  	_ =	shalt  }
0x6e: {  	_ =	shalt  }
0x6f: {  	_ =	shalt  }
0x70: {  	_ =	shalt  }
0x71: {  	_ =	shalt  }
0x72: {  	_ =	shalt  }
0x73: {  	_ =	shalt  }
0x74: {  	_ =	shalt  }
0x75: {  	_ =	shalt  }
0x76: {  	_ =	shalt  }
0x77: {  	_ =	shalt  }
0x78: {  	_ =	shalt  }
0x79: {  	_ =	shalt  }
0x7a: {  	_ =	shalt  }
0x7b: {  	_ =	shalt  }
0x7c: {  	_ =	shalt  }
0x7d: {  	_ =	shalt  }
0x7e: {  	_ =	shalt  }
0x7f: {  	_ =	shalt  }
0x80: {  	_ =	shalt  }
0x81: {  	_ =	shalt  }
0x82: {  	_ =	shalt  }
0x83: {  	_ =	shalt  }
0x84: {  	_ =	shalt  }
0x85: {  	_ =	shalt  }
0x86: {  	_ =	shalt  }
0x87: {  	_ =	shalt  }
.Lfunc_end0:
.L_simem_size_0:
called_computation.2_lowered:
.L_overlay_start_0:
0x88: {  	s2 =	sld [smem:$0x3FD9]  }
0x89: {  	s3 =	sld [smem:$0x3FFE];
	_ =	sdelay $0x1  }
0x8a: {  	s1 =	srdreg.scid  }
0x8b: {  	s0 =	sand.u32 $0x1, s1  }
0x8c: {  	s17 =	sshll.u32 s0, $0xA;
	s2 =	sadd.s32 s3, s2  }
0x8d: {  	s2 =	sadd.s32 s2, s17  }
0x8e: {  	[smem:$0x3FBC] =	sst s2  }
0x8f: {  	_ = 	snop  }
0x90: {  	(tm) =	ssettm $0x1  }
0x91: {  	s18 =	sld [smem:$0x3FFB];
	_ =	sdelay $0x3  }
0x92: {  	_ =	strace s18  }
0x93: {  	s2 =	sld [smem:$0x3FFC];
	_ =	sdelay $0x3  }
0x94: {  	_ =	strace s2  }
0x95: {  	s2 =	sld [smem:$0x3FFD];
	_ =	sdelay $0x3  }
0x96: {  	_ =	strace s2  }
0x97: {  	_ =	strace $0x8FFFFFFF  }
0x98: {  	s19 =	sld [smem:$0x3FDB];
	_ =	sdelay $0x1  }
0x99: {  	s20 =	simm.s32 $_scs_section_size  }
0x9a: {  	s4 =	simm.s32 $_size__tile_overlayer_lowered;
	s5 =	simm.s32 $_tile_overlayer_lowered  }
0x9b: {  	s6 =	simm.s32 $0x1BFF;
	s21 =	sshll.u32 s5, $0x1;
	s3 =	sadd.s32 s20, s19  }
0x9c: {  	s22 =	simm.s32 $0x0;
	s4 =	sshll.u32 s4, $0x1;
	s5 =	sadd.s32 s21, s3  }
0x9d: {  	[timem:s22], [sflag:s6] =	dma.local [hbm:s5], s4  }
0x9e: {  	_ =	swait.ge [sflag:s6], s4  }
0x9f: {  	s4 =	ssub.s32 $0x0, s4;
	[sflag:s6] =	ssyncset.done $0x0  }
0xa0: {  	[sflag:s6] =	ssyncadd.s32 s4;
	_ =	sdelay $0x1  }
0xa1: {  	s23 =	simm.s32 $0x1B8B  }
0xa2: {  	_ =	swait.ge [sflag:s23], $0x1  }
0xa3: {  	[sflag:s23] =	ssyncset.done $0x0  }
0xa4: {  	[sflag:s23] =	ssyncadd.s32 $0xFFFFFFFF  }
0xa5: {  	s4 =	sld [smem:$0x0]  }
0xa6: {  	s5 =	sand.u32 $0xFFFFFFFE, s1  }
0xa7: {  	p0 =	sne.s32 s1, s5  }
0xa8: {  	s5 =	sshll.u32 @p0 s5, $0xE  }
0xa9: {  	s5 =	sadd.s32 @p0 $0x11B8D, s5;
	s6 =	sshll.u32 @p0 s4, $0x11  }
0xaa: {  	s5 =	sor.u32 @p0 s6, s5  }
0xab: {  	[sflag:s5] =	ssyncadd.remote.s32 @p0 $0x1;
	_ =	sdelay $0x1  }
0xac: {  	s5 =	simm.s32 @p0 $0x1B8D  }
0xad: {  	_ =	swait.eq @p0 [sflag:s5], $0x1  }
0xae: {  	[sflag:s5] =	ssyncadd.s32 @p0 $0xFFFFFFFF  }
0xaf: {  	s6 =	sshll.u32 @!p0 s1, $0xE  }
0xb0: {  	s6 =	sor.u32 @!p0 $0x4000, s6;
	s5 =	simm.s32 @!p0 $0x1B8D  }
0xb1: {  	s4 =	sshll.u32 @!p0 s4, $0x11;
	s6 =	sadd.s32 @!p0 $0x11B8D, s6;
	_ =	swait.eq @!p0 [sflag:s5], $0x1  }
0xb2: {  	s4 =	sor.u32 @!p0 s4, s6;
	[sflag:s5] =	ssyncadd.s32 @!p0 $0xFFFFFFFF  }
0xb3: {  	s25 =	simm.s32 $0x1B8E;
	s24 =	sld [smem:$0x3FFE];
	[sflag:s4] =	ssyncadd.remote.s32 @!p0 $0x1  }
0xb4: {  	s26 =	simm.s32 $execute0_lowered;
	[smem:$0x3FD2] =	sst s25  }
0xb5: {  	s5 =	sshll.u32 s26, $0x1;
	_ =	strace $0x8000004F;
	[dreg:$0x1] =	wrdreg $0xFFFFFFFF  }
0xb6: {  	s28 =	simm.s32 $_size_execute0_lowered;
	s3 =	sadd.s32 s3, s5;
	[dreg:$0x0] =	wrdreg $0x0  }
0xb7: {  	s5 =	sshll.u32 s28, $0x1;
	[dreg:$0x2] =	wrdreg s3  }
0xb8: {  	[dreg:$0x3] =	wrdreg s5  }
0xb9: {  	[dreg:$0x4] =	wrdreg $0xC0  }
0xba: {  	_ =	task [dreg:s22], $0x5FFFF  }
0xbb: {  	[dreg:$0x1] =	wrdreg $0xFFFFFFFF  }
0xbc: {  	[dreg:$0x0] =	wrdreg $0x60  }
0xbd: {  	[dreg:$0x2] =	wrdreg s24  }
0xbe: {  	[dreg:$0x3] =	wrdreg $0x40800  }
0xbf: {  	[dreg:$0x4] =	wrdreg $0x9  }
0xc0: {  	_ =	task.clear_ibuf [dreg:s22], $0x5FFFF;
	_ =	strace $0x9000004F  }
0xc1: {  	s29 =	simm.s32 $0x9;
	_ =	strace $0x80000051  }
0xc2: {  	_ =	swait.ge [sflag:s29], $0x1  }
0xc3: {  	[sflag:s29] =	ssyncadd.s32 $0xFFFFFFFF  }
0xc4: {  	_ =	strace $0x90000051  }
0xc5: {  	_ =	sfence  }
0xc6: {  	s30 =	sld [smem:$0x0];
	_ =	sdelay $0x2  }
0xc7: {  	s31 =	sshll.u32 s1, $0xD;
	s1 =	sshrl.u32 s1, $0x2  }
0xc8: {  	s4 =	sand.u32 $0x4000, s31;
	s1 =	sadd.s32 s1, s30  }
0xc9: {  	s0 =	sor.u32 s4, s0;
	s1 =	sshll.u32 s1, $0x11  }
0xca: {  	s0 =	sor.u32 s1, s0  }
0xcb: {  	s0 =	sadd.s32 $0x8F2B, s0  }
0xcc: {  	[sflag:s0] =	ssyncadd.remote.s32 $0x1  }
0xcd: {  	_ =	sfence.sel $0xFFFF  }
0xce: {  	[dreg:$0x0] =	wrdreg $0xFFFFFFFF;
	(pc) =	sbr.abs _section_cstart, $3  }
0xcf: {  	[dreg:$0x1] =	wrdreg $0xFFFFFFFF  }
0xd0: {  	_ =	task.clear_ibuf [dreg:s22], $0x2FFFF;
	_ =	strace $0x9FFFFFFF  }
0xd1: {  	(tm) =	ssettm $0x7FFFFFFF  }
tec
execute0_lowered:
.L_overlay_start_1:
0x0: {  	(tag) =	ssettag $0x1  }
0x1: {  	s4 =	rddreg [dreg:$0x0]  }
0x2: {  	s2 =	rddreg [dreg:$0x1];
	s1 =	stileid.u32  }
0x3: {  	s0 =	rddreg [dreg:$0x2];
	s6 =	smul.u32 $0x3E80, s1  }
0x4: {  	s3 =	simm.s32 $0x0;
	s5 =	srdreg.scid;
	s8 =	smul.u32 $0x7D000, s1  }
0x5: {  	[smem:$0x7FF] =	sst s3;
	s10 =	sadd.s32 $0x4EDE00, s4;
	s15 =	smul.u32 $0x13000, s1  }
0x6: {  	s9 =	sand.u32 $0x1, s5;
	s11 =	sadd.s32 $0x13F600, s4;
	s28 =	smul.u32 $0x260, s1  }
0x7: {  	s20 =	sshll.u32 s1, $0x1;
	p0 =	sgt.u32 s1, $0x9;
	s5 =	smul.u32 $0x27100, s9  }
0x8: {  	_ =	strace $0x80000050;
	s21 =	ssub.s32 $0x2, s9;
	s17 =	smul.u32 $0x9800, s9  }
0x9: {  	s16 =	sor.u32 s9, s20;
	s29 =	smul.u32 $0x130, s9;
	s7 =	sadd.s32 s6, s4  }
0xa: {  	s22 =	sshrl.u32 s21, $0x1;
	s23 =	sshrl.u32 s8, $0x2;
	s24 =	sshll.u32 s16, $0x7  }
0xb: {  	s30 =	sadd.s32 s15, s10;
	s31 =	sadd.s32 s28, s11;
	s15 =	simm.s32 $0x1  }
0xc: {  	p1 =	sgt.u32 s16, $0x10;
	s16 =	simm.s32 $0x0;
	s5 =	sadd.s32 s6, s5  }
0xd: {  	s13 =	ssub.s32 s21, s22;
	s14 =	sadd.s32 s23, s2;
	s25 =	sor.u32 $0x13000, s24  }
0xe: {  	s9 =	sadd.s32 s17, s30;
	s12 =	sadd.s32 s5, s4;
	s4 =	sadd.s32 $0x27A600, s7  }
0xf: {  	s26 =	sshrl.u32 s25, $0x3;
	s6 =	sshll.u32 s25, $0x4;
	s8 =	smax.u32 s13, $0x1  }
0x10: {  	s13 =	simm.s32 $0x2;
	s5 =	sadd.s32 s11, s26;
	s6 =	sadd.s32 s10, s6  }
0x11: {  	s7 =	sadd.s32 $0x2EFA00, s12;
	s11 =	sshll.u32 @!p0 s1, $0x6;
	s10 =	sadd.s32 s29, s31  }
0x12: {  	s12 =	sshrl.u32 @!p0 s14, $0x3;
	s14 =	simm.s32 $0x80;
	s11 =	sor.u32 @!p0 $0x1C02, s11  }
.LBB2_1:
0x13: {  	[spmem:s12], [sflag:s11] =	dma.local @!p0 [hbm:s4], $0x3E80  }
0x14: {  	s17 =	simm.s32 @!p0 $0x2  }
0x15: {  	_ =	swait.ge @!p0 [sflag:s17], $0x3E80  }
0x16: {  	[sflag:s17] =	ssyncset.done @!p0 $0x0  }
0x17: {  	[sflag:s17] =	ssyncadd.s32 @!p0 $0xFFFFC180  }
0x18: {  	s31 =	sadd.s32 $0x0, s10;
	[bflag:$0x0] =	sbarrier.arrive $0xFFFF  }
0x19: {  	[tilespmem:s3], [sflag:$0x2] =	stream.linear.gather [hbm4b:s31+s3], $0x80, $0x38;
	[tilespmem:$0x17900] =	vst v63  }
0x1a: {  	_ =	swait.ge [sflag:s13], $0x80  }
0x1b: {  	[sflag:s13] =	ssyncset.done $0x0  }
0x1c: {  	[sflag:s13] =	ssyncadd.s32 $0xFFFFFF80  }
0x1d: {  	[tilespmem:s14], [sflag:$0x2] =	stream.linear.gather [hbm4b:s9+s3], $0x4000, $0x38;
	[tilespmem:$0x17900] =	vst v63  }
0x1e: {  	_ =	swait.ge [sflag:s13], $0x4000  }
0x1f: {  	[sflag:s13] =	ssyncset.done $0x0  }
0x20: {  	[sflag:s13] =	ssyncadd.s32 $0xFFFFC000  }
0x21: {  	[spmem:s2] =	stream.indirect.scatter.add.f32 [tilespmem:s14], [sflag:$0x1], $0x80, s3, s14, $0xb8;
	[tilespmem:$0x17900] =	vst v63  }
0x22: {  	s18 =	simm.s32 $0x10;
	_ =	swait.ge [sflag:s15], $0x4000  }
0x23: {  	s19 =	simm.s32 $0x20;
	s17 =	sadd.s32 $0x800, s9;
	[sflag:s15] =	ssyncset.done $0x0  }
.LBB2_2:
0x24: {  	s20 =	sadd.s32 s18, s10  }
0x25: {  	[sflag:s15] =	ssyncadd.s32 $0xFFFFC000;
	s18 =	smov.u32 s19;
	s21 =	sadd.s32 $0x10, s19  }
0x26: {  	[tilespmem:s3], [sflag:$0x2] =	stream.linear.gather [hbm4b:s20+s3], $0x80, $0x38;
	[tilespmem:$0x17900] =	vst v63  }
0x27: {  	p2 =	sne.s32 s19, $0x120;
	_ =	swait.ge [sflag:s13], $0x80  }
0x28: {  	[sflag:s13] =	ssyncset.done $0x0  }
0x29: {  	[sflag:s13] =	ssyncadd.s32 $0xFFFFFF80  }
0x2a: {  	[tilespmem:s14], [sflag:$0x2] =	stream.linear.gather [hbm4b:s17+s3], $0x4000, $0x38;
	[tilespmem:$0x17900] =	vst v63  }
0x2b: {  	_ =	swait.ge [sflag:s13], $0x4000  }
.Ltmp0:
0x2c: {  	[sflag:s13] =	ssyncset.done $0x0;
	(pc) =	sbr.rel @p2 .LBB2_2-.Ltmp0, $4  }
0x2d: {  	[sflag:s13] =	ssyncadd.s32 $0xFFFFC000  }
0x2e: {  	[spmem:s2] =	stream.indirect.scatter.add.f32 [tilespmem:s14], [sflag:$0x1], $0x80, s3, s14, $0xb8;
	[tilespmem:$0x17900] =	vst v63  }
0x2f: {  	_ =	swait.ge [sflag:s15], $0x4000  }
0x30: {  	s19 =	smov.u32 s21;
	s17 =	sadd.s32 $0x800, s17;
	[sflag:s15] =	ssyncset.done $0x0  }
0x31: {  	s18 =	sadd.s32 s18, s10;
	[sflag:s15] =	ssyncadd.s32 $0xFFFFC000  }
0x32: {  	[tilespmem:s3], [sflag:$0x2] =	stream.linear.gather [hbm4b:s18+s3], $0x80, $0x38;
	[tilespmem:$0x17900] =	vst v63  }
0x33: {  	_ =	swait.ge [sflag:s13], $0x80  }
0x34: {  	[sflag:s13] =	ssyncset.done $0x0  }
0x35: {  	[sflag:s13] =	ssyncadd.s32 $0xFFFFFF80  }
0x36: {  	[tilespmem:s14], [sflag:$0x2] =	stream.linear.gather [hbm4b:s17+s3], $0x4000, $0x38;
	[tilespmem:$0x17900] =	vst v63  }
0x37: {  	_ =	swait.ge [sflag:s13], $0x4000  }
0x38: {  	[sflag:s13] =	ssyncset.done $0x0  }
0x39: {  	[sflag:s13] =	ssyncadd.s32 $0xFFFFC000  }
0x3a: {  	[spmem:s2] =	stream.indirect.scatter.add.f32 [tilespmem:s14], [sflag:$0x1], $0x80, s3, s14, $0xb8;
	[tilespmem:$0x17900] =	vst v63  }
0x3b: {  	_ =	swait.ge [sflag:s15], $0x4000  }
0x3c: {  	[sflag:s15] =	ssyncset.done $0x0  }
0x3d: {  	s18 =	simm.s32 @!p1 $0x2;
	s17 =	simm.s32 @!p1 $0x0;
	[sflag:s15] =	ssyncadd.s32 $0xFFFFC000  }
0x3e: {  	[tilespmem:s17], [sflag:$0x2] =	stream.linear.gather @!p1 [hbm4b:s5+s17], $0x80, $0x38;
	[tilespmem:$0x17900] =	vst v63  }
0x3f: {  	_ =	swait.ge @!p1 [sflag:s18], $0x80  }
0x40: {  	[sflag:s18] =	ssyncset.done @!p1 $0x0  }
0x41: {  	s19 =	simm.s32 @!p1 $0x80;
	[sflag:s18] =	ssyncadd.s32 @!p1 $0xFFFFFF80  }
0x42: {  	[tilespmem:s19], [sflag:$0x2] =	stream.linear.gather @!p1 [hbm4b:s6+s17], $0x4000, $0x38;
	[tilespmem:$0x17900] =	vst v63  }
0x43: {  	_ =	swait.ge @!p1 [sflag:s18], $0x4000  }
0x44: {  	[sflag:s18] =	ssyncset.done @!p1 $0x0  }
0x45: {  	[sflag:s18] =	ssyncadd.s32 @!p1 $0xFFFFC000  }
0x46: {  	[spmem:s2] =	stream.indirect.scatter.add.f32 @!p1 [tilespmem:s19], [sflag:$0x1], $0x80, s17, s19, $0xb8;
	[tilespmem:$0x17900] =	vst v63  }
0x47: {  	s17 =	simm.s32 @!p1 $0x1  }
0x48: {  	_ =	swait.ge @!p1 [sflag:s17], $0x4000  }
0x49: {  	s16 =	sadd.s32 $0x1, s16;
	[sflag:s17] =	ssyncset.done @!p1 $0x0  }
0x4a: {  	p2 =	sne.s32 s16, s8;
	[sflag:s17] =	ssyncadd.s32 @!p1 $0xFFFFC000  }
.Ltmp1:
0x4b: {  	s17 =	simm.s32 @!p0 $0x2;
	[bflag:$0x0] =	sbarrier.arrive $0xFFFF;
	(pc) =	sbr.rel @p2 .LBB2_1-.Ltmp1, $4  }
0x4c: {  	[hbm:s7], [sflag:s11] =	dma.local @!p0 [spmem:s12], $0x3E80  }
0x4d: {  	_ =	swait.ge @!p0 [sflag:s17], $0x3E80  }
0x4e: {  	[sflag:s17] =	ssyncset.done @!p0 $0x0  }
0x4f: {  	[sflag:s17] =	ssyncadd.s32 @!p0 $0xFFFFC180  }
0x50: {  	_ =	sfence.sel $0x180000  }
0x51: {  	[bflag:$0x0] =	sbarrier.arrive $0xFFFF  }
0x52: {  	p0 =	sne.s32 s1, $0x0;
	_ =	strace $0x90000050  }
0x53: {  	s0 =	sadd.s32 @!p0 $0x100000, s0;
	[bflag:$0x2] =	sbarrier.arrive $0xFFFF  }
0x54: {  	[sflag:s0] =	ssyncadd.tile.s32 @!p0 $0x1;
	_ =	shalt  }
.Lfunc_end2:
_tile_overlayer_lowered:
.L_overlay_start_2:
0x55: {  	(tag) =	ssettag $0x2  }
0x56: {  	s0 =	rddreg [dreg:$0x0];
	s2 =	stileid.u32  }
0x57: {  	s1 =	rddreg [dreg:$0x1];
	p0 =	sne.s32 s2, $0x0  }
0x58: {  	s3 =	rddreg [dreg:$0x2];
	[bflag:$0x3] =	sbarrier.arrive $0xFFFF;
	s2 =	simm.s32 @!p0 $0x1C02  }
0x59: {  	[timem:s3], [sflag:s2] =	dma.local @!p0 [hbm:s0], s1  }
0x5a: {  	s0 =	simm.s32 @!p0 $0x2  }
0x5b: {  	_ =	swait.ge @!p0 [sflag:s0], s1  }
0x5c: {  	s1 =	ssub.s32 @!p0 $0x0, s1;
	[sflag:s0] =	ssyncset.done @!p0 $0x0  }
0x5d: {  	[sflag:s0] =	ssyncadd.s32 @!p0 s1  }
0x5e: {  	[bflag:$0x3] =	sbarrier.arrive $0xFFFF  }
0x5f: {  	_ =	shalt  }

// kernel: kernel.18.cloned.1.call-start
scs
__scs_entry_jumppad:
0x0: {  	(pc) =	sbr.rel $0x88, $3  }
0x1: {  	(tag) =	ssettag $0x0;
	lr =	simm.s32 $0x1  }
0x2: {  	[smem:$0x3F95] =	sst lr;
	_ =	strace $0xD0000000  }
0x3: {  	_ = 	snop  }
0x4: {  	_ = 	snop  }
0x5: {  	_ = 	snop  }
0x6: {  	_ = 	snop  }
0x7: {  	_ = 	snop  }
__scs_overlays_trampoline_lowered:
0x8: {  	[smem:$0x3FA4] =	sst s0  }
0x9: {  	[smem:$0x3FA5] =	sst s1  }
0xa: {  	[smem:$0x3FA6] =	sst s2  }
0xb: {  	[smem:$0x3FA7] =	sst s3  }
0xc: {  	[smem:$0x3FA8] =	sst s4  }
0xd: {  	[smem:$0x3FA9] =	sst s5  }
0xe: {  	[smem:$0x3FAA] =	sst s6  }
0xf: {  	[smem:$0x3FAB] =	sst s7  }
0x10: {  	[smem:$0x3FAC] =	sst s8  }
0x11: {  	[smem:$0x3FAD] =	sst s9;
	s0 =	simm.s32 @!p0 $0x0  }
0x12: {  	s1 =	sld [smem:$0x3F93];
	s0 =	simm.s32 @p0 $0x1  }
0x13: {  	[smem:$0x3FAE] =	sst s0;
	s0 =	simm.s32 @!p1 $0x0  }
0x14: {  	s2 =	sld [smem:$0x3F92];
	s0 =	simm.s32 @p1 $0x1  }
0x15: {  	[smem:$0x3FAF] =	sst s0;
	s0 =	simm.s32 @!p2 $0x0  }
0x16: {  	s3 =	sld [smem:$0x3FDB];
	s0 =	simm.s32 @p2 $0x1  }
0x17: {  	s4 =	simm.s32 $0x1BF5;
	[smem:$0x3FB1] =	sst s0  }
0x18: {  	s0 =	sld [smem:$0x3F94];
	_ =	swait.ge [sflag:s4], $0x0  }
0x19: {  	s7 =	sld [smem:$0x3F95]  }
0x1a: {  	s8 =	sadd.s32 $0xFFFFE003, lr  }
0x1b: {  	s9 =	sadd.s32 $0xFFFFFEF7, lr;
	s5 =	simm.s32 $0xFFFFFFFF;
	p2 =	slt.u32 s8, $0xFFFFF086  }
0x1c: {  	p1 =	slt.u32 s9, $0xF7A;
	s5 =	simm.s32 @!p2 $0x0  }
0x1d: {  	s5 =	simm.s32 @p1 $0x1;
	p0 =	seq.s32 s7, s2  }
0x1e: {  	s7 =	smul.u32 @!p0 $0xF7A, s2;
	p2 =	seq.s32 @!p0 s5, $0x0  }
0x1f: {  	s9 =	smul.u32 $0xF7A, s1;
	s8 =	simm.s32 @!p0 $0x1BF5;
	p2 =	por !p2, p0  }
0x20: {  	[sflag:s8] =	ssyncset.s32 @!p0 $0xFFFFF086;
	s6 =	sadd.s32 @!p0 s3, s7;
	s7 =	simm.s32 @!p0 $0x108  }
0x21: {  	s3 =	sadd.s32 s3, s9;
	s6 =	sadd.s32 @!p0 $0x88, s6;
	s7 =	simm.s32 @p2 $0x1082  }
0x22: {  	[simem:s7], [sflag:s8] =	dma.local @!p0 [hbm:s6], $0xF7A  }
0x23: {  	s9 =	sor.u32 $0xD0000000, s2;
	s6 =	simm.s32 $0x108;
	_ =	swait.ge @!p0 [sflag:s8], $0x0  }
0x24: {  	s3 =	sadd.s32 $0x88, s3;
	s6 =	simm.s32 @!p1 $0x1082;
	[sflag:s4] =	ssyncset.s32 $0xFFFFF086  }
0x25: {  	[simem:s6], [sflag:s4] =	dma.local [hbm:s3], $0xF7A  }
0x26: {  	[smem:$0x3F95] =	sst s1;
	(tag) =	ssettag s2;
	_ =	strace s9  }
0x27: {  	s1 =	sld [smem:$0x3FA5]  }
0x28: {  	s2 =	sld [smem:$0x3FA6]  }
0x29: {  	s4 =	sld [smem:$0x3FA8]  }
0x2a: {  	p0 =	seq.s32 s5, $0x0;
	s5 =	sld [smem:$0x3FA9]  }
0x2b: {  	s6 =	sld [smem:$0x3FAA]  }
0x2c: {  	s7 =	sld [smem:$0x3FAB]  }
0x2d: {  	s3 =	simm.s32 $0x108;
	s8 =	sld [smem:$0x3FAC]  }
0x2e: {  	s3 =	simm.s32 @!p0 $0x1082;
	s9 =	sld [smem:$0x3FAD]  }
0x2f: {  	lr =	sadd.s32 s0, s3;
	s0 =	sld [smem:$0x3FA4]  }
0x30: {  	s3 =	sld [smem:$0x3FA7]  }
0x31: {  	[smem:$0x3FB0] =	sst s10  }
0x32: {  	s10 =	sld [smem:$0x3FAE];
	_ =	sdelay $0x3  }
0x33: {  	p0 =	seq.s32 s10, $0x1;
	s10 =	sld [smem:$0x3FB0];
	_ =	sdelay $0x3  }
0x34: {  	[smem:$0x3FB0] =	sst s10  }
0x35: {  	s10 =	sld [smem:$0x3FAF];
	_ =	sdelay $0x3  }
0x36: {  	p1 =	seq.s32 s10, $0x1;
	s10 =	sld [smem:$0x3FB0];
	_ =	sdelay $0x3  }
0x37: {  	[smem:$0x3FB0] =	sst s10  }
0x38: {  	s10 =	sld [smem:$0x3FB1]  }
0x39: {  	_ = 	snop;
	(pc) =	sbr.ind lr, $3  }
0x3a: {  	_ = 	snop  }
0x3b: {  	_ = 	snop  }
0x3c: {  	p2 =	seq.s32 s10, $0x1;
	s10 =	sld [smem:$0x3FB0]  }
0x3d: {  	_ =	shalt  }
0x3e: {  	_ =	shalt  }
0x3f: {  	_ =	shalt  }
0x40: {  	_ =	shalt  }
0x41: {  	_ =	shalt  }
0x42: {  	_ =	shalt  }
0x43: {  	_ =	shalt  }
0x44: {  	_ =	shalt  }
0x45: {  	_ =	shalt  }
0x46: {  	_ =	shalt  }
0x47: {  	_ =	shalt  }
0x48: {  	_ =	shalt  }
0x49: {  	_ =	shalt  }
0x4a: {  	_ =	shalt  }
0x4b: {  	_ =	shalt  }
0x4c: {  	_ =	shalt  }
0x4d: {  	_ =	shalt  }
0x4e: {  	_ =	shalt  }
0x4f: {  	_ =	shalt  }
0x50: {  	_ =	shalt  }
0x51: {  	_ =	shalt  }
0x52: {  	_ =	shalt  }
0x53: {  	_ =	shalt  }
0x54: {  	_ =	shalt  }
0x55: {  	_ =	shalt  }
0x56: {  	_ =	shalt  }
0x57: {  	_ =	shalt  }
0x58: {  	_ =	shalt  }
0x59: {  	_ =	shalt  }
0x5a: {  	_ =	shalt  }
0x5b: {  	_ =	shalt  }
0x5c: {  	_ =	shalt  }
0x5d: {  	_ =	shalt  }
0x5e: {  	_ =	shalt  }
0x5f: {  	_ =	shalt  }
0x60: {  	_ =	shalt  }
0x61: {  	_ =	shalt  }
0x62: {  	_ =	shalt  }
0x63: {  	_ =	shalt  }
0x64: {  	_ =	shalt  }
0x65: {  	_ =	shalt  }
0x66: {  	_ =	shalt  }
0x67: {  	_ =	shalt  }
0x68: {  	_ =	shalt  }
0x69: {  	_ =	shalt  }
0x6a: {  	_ =	shalt  }
0x6b: {  	_ =	shalt  }
0x6c: {  	_ =	shalt  }
0x6d: {  	_ =	shalt  }
0x6e: {  	_ =	shalt  }
0x6f: {  	_ =	shalt  }
0x70: {  	_ =	shalt  }
0x71: {  	_ =	shalt  }
0x72: {  	_ =	shalt  }
0x73: {  	_ =	shalt  }
0x74: {  	_ =	shalt  }
0x75: {  	_ =	shalt  }
0x76: {  	_ =	shalt  }
0x77: {  	_ =	shalt  }
0x78: {  	_ =	shalt  }
0x79: {  	_ =	shalt  }
0x7a: {  	_ =	shalt  }
0x7b: {  	_ =	shalt  }
0x7c: {  	_ =	shalt  }
0x7d: {  	_ =	shalt  }
0x7e: {  	_ =	shalt  }
0x7f: {  	_ =	shalt  }
0x80: {  	_ =	shalt  }
0x81: {  	_ =	shalt  }
0x82: {  	_ =	shalt  }
0x83: {  	_ =	shalt  }
0x84: {  	_ =	shalt  }
0x85: {  	_ =	shalt  }
0x86: {  	_ =	shalt  }
0x87: {  	_ =	shalt  }
.Lfunc_end0:
.L_simem_size_0:
called_computation.3_lowered:
.L_overlay_start_0:
0x88: {  	s2 =	sld [smem:$0x3FD9]  }
0x89: {  	s3 =	sld [smem:$0x3FFE];
	_ =	sdelay $0x1  }
0x8a: {  	s1 =	srdreg.scid  }
0x8b: {  	s0 =	sand.u32 $0x1, s1  }
0x8c: {  	s17 =	sshll.u32 s0, $0xA;
	s2 =	sadd.s32 s3, s2  }
0x8d: {  	s2 =	sadd.s32 s2, s17  }
0x8e: {  	[smem:$0x3FBC] =	sst s2  }
0x8f: {  	_ = 	snop  }
0x90: {  	(tm) =	ssettm $0x1  }
0x91: {  	s18 =	sld [smem:$0x3FFB];
	_ =	sdelay $0x3  }
0x92: {  	_ =	strace s18  }
0x93: {  	s2 =	sld [smem:$0x3FFC];
	_ =	sdelay $0x3  }
0x94: {  	_ =	strace s2  }
0x95: {  	s2 =	sld [smem:$0x3FFD];
	_ =	sdelay $0x3  }
0x96: {  	_ =	strace s2  }
0x97: {  	_ =	strace $0x8FFFFFFF  }
0x98: {  	s19 =	sld [smem:$0x3FDB];
	_ =	sdelay $0x1  }
0x99: {  	s20 =	simm.s32 $_scs_section_size  }
0x9a: {  	s4 =	simm.s32 $_size__tile_overlayer_lowered;
	s5 =	simm.s32 $_tile_overlayer_lowered  }
0x9b: {  	s6 =	simm.s32 $0x1BFF;
	s21 =	sshll.u32 s5, $0x1;
	s3 =	sadd.s32 s20, s19  }
0x9c: {  	s22 =	simm.s32 $0x0;
	s4 =	sshll.u32 s4, $0x1;
	s5 =	sadd.s32 s21, s3  }
0x9d: {  	[timem:s22], [sflag:s6] =	dma.local [hbm:s5], s4  }
0x9e: {  	_ =	swait.ge [sflag:s6], s4  }
0x9f: {  	s4 =	ssub.s32 $0x0, s4;
	[sflag:s6] =	ssyncset.done $0x0  }
0xa0: {  	[sflag:s6] =	ssyncadd.s32 s4;
	_ =	sdelay $0x1  }
0xa1: {  	s23 =	simm.s32 $0x1B8B  }
0xa2: {  	_ =	swait.ge [sflag:s23], $0x1  }
0xa3: {  	[sflag:s23] =	ssyncset.done $0x0  }
0xa4: {  	[sflag:s23] =	ssyncadd.s32 $0xFFFFFFFF  }
0xa5: {  	s4 =	sld [smem:$0x0]  }
0xa6: {  	s5 =	sand.u32 $0xFFFFFFFE, s1  }
0xa7: {  	p0 =	sne.s32 s1, s5  }
0xa8: {  	s5 =	sshll.u32 @p0 s5, $0xE  }
0xa9: {  	s5 =	sadd.s32 @p0 $0x11B8D, s5;
	s6 =	sshll.u32 @p0 s4, $0x11  }
0xaa: {  	s5 =	sor.u32 @p0 s6, s5  }
0xab: {  	[sflag:s5] =	ssyncadd.remote.s32 @p0 $0x1;
	_ =	sdelay $0x1  }
0xac: {  	s5 =	simm.s32 @p0 $0x1B8D  }
0xad: {  	_ =	swait.eq @p0 [sflag:s5], $0x1  }
0xae: {  	[sflag:s5] =	ssyncadd.s32 @p0 $0xFFFFFFFF  }
0xaf: {  	s6 =	sshll.u32 @!p0 s1, $0xE  }
0xb0: {  	s6 =	sor.u32 @!p0 $0x4000, s6;
	s5 =	simm.s32 @!p0 $0x1B8D  }
0xb1: {  	s4 =	sshll.u32 @!p0 s4, $0x11;
	s6 =	sadd.s32 @!p0 $0x11B8D, s6;
	_ =	swait.eq @!p0 [sflag:s5], $0x1  }
0xb2: {  	s4 =	sor.u32 @!p0 s4, s6;
	[sflag:s5] =	ssyncadd.s32 @!p0 $0xFFFFFFFF  }
0xb3: {  	s25 =	simm.s32 $0x1B8E;
	s24 =	sld [smem:$0x3FFE];
	[sflag:s4] =	ssyncadd.remote.s32 @!p0 $0x1  }
0xb4: {  	s26 =	simm.s32 $execute0_lowered;
	[smem:$0x3FD2] =	sst s25  }
0xb5: {  	s5 =	sshll.u32 s26, $0x1;
	_ =	strace $0x8000004C;
	[dreg:$0x1] =	wrdreg $0xFFFFFFFF  }
0xb6: {  	s28 =	simm.s32 $_size_execute0_lowered;
	s3 =	sadd.s32 s3, s5;
	[dreg:$0x0] =	wrdreg $0x0  }
0xb7: {  	s5 =	sshll.u32 s28, $0x1;
	[dreg:$0x2] =	wrdreg s3  }
0xb8: {  	[dreg:$0x3] =	wrdreg s5  }
0xb9: {  	[dreg:$0x4] =	wrdreg $0xC0  }
0xba: {  	_ =	task [dreg:s22], $0x5FFFF  }
0xbb: {  	[dreg:$0x1] =	wrdreg $0xFFFFFFFF  }
0xbc: {  	[dreg:$0x0] =	wrdreg $0x60  }
0xbd: {  	[dreg:$0x2] =	wrdreg s24  }
0xbe: {  	[dreg:$0x3] =	wrdreg $0x40800  }
0xbf: {  	[dreg:$0x4] =	wrdreg $0xA  }
0xc0: {  	_ =	task.clear_ibuf [dreg:s22], $0x5FFFF;
	_ =	strace $0x9000004C  }
0xc1: {  	s29 =	simm.s32 $0xA;
	_ =	strace $0x8000004E  }
0xc2: {  	_ =	swait.ge [sflag:s29], $0x1  }
0xc3: {  	[sflag:s29] =	ssyncadd.s32 $0xFFFFFFFF  }
0xc4: {  	_ =	strace $0x9000004E  }
0xc5: {  	_ =	sfence  }
0xc6: {  	s30 =	sld [smem:$0x0];
	_ =	sdelay $0x2  }
0xc7: {  	s31 =	sshll.u32 s1, $0xD;
	s1 =	sshrl.u32 s1, $0x2  }
0xc8: {  	s4 =	sand.u32 $0x4000, s31;
	s1 =	sadd.s32 s1, s30  }
0xc9: {  	s0 =	sor.u32 s4, s0;
	s1 =	sshll.u32 s1, $0x11  }
0xca: {  	s0 =	sor.u32 s1, s0  }
0xcb: {  	s0 =	sadd.s32 $0x8F2B, s0  }
0xcc: {  	[sflag:s0] =	ssyncadd.remote.s32 $0x1  }
0xcd: {  	_ =	sfence.sel $0xFFFF  }
0xce: {  	[dreg:$0x0] =	wrdreg $0xFFFFFFFF;
	(pc) =	sbr.abs _section_cstart, $3  }
0xcf: {  	[dreg:$0x1] =	wrdreg $0xFFFFFFFF  }
0xd0: {  	_ =	task.clear_ibuf [dreg:s22], $0x2FFFF;
	_ =	strace $0x9FFFFFFF  }
0xd1: {  	(tm) =	ssettm $0x7FFFFFFF  }
tec
execute0_lowered:
.L_overlay_start_1:
0x0: {  	(tag) =	ssettag $0x1  }
0x1: {  	s4 =	rddreg [dreg:$0x0]  }
0x2: {  	s2 =	rddreg [dreg:$0x1];
	s1 =	stileid.u32  }
0x3: {  	s0 =	rddreg [dreg:$0x2];
	s6 =	smul.u32 $0x3E80, s1  }
0x4: {  	s3 =	simm.s32 $0x0;
	s5 =	srdreg.scid;
	s8 =	smul.u32 $0x7D000, s1  }
0x5: {  	[smem:$0x7FF] =	sst s3;
	s10 =	sadd.s32 $0x3B5600, s4;
	s15 =	smul.u32 $0x13000, s1  }
0x6: {  	s9 =	sand.u32 $0x1, s5;
	s11 =	sadd.s32 $0x3B2E00, s4;
	s28 =	smul.u32 $0x260, s1  }
0x7: {  	s20 =	sshll.u32 s1, $0x1;
	p0 =	sgt.u32 s1, $0x9;
	s5 =	smul.u32 $0x27100, s9  }
0x8: {  	_ =	strace $0x8000004D;
	s21 =	ssub.s32 $0x2, s9;
	s17 =	smul.u32 $0x9800, s9  }
0x9: {  	s16 =	sor.u32 s9, s20;
	s29 =	smul.u32 $0x130, s9;
	s7 =	sadd.s32 s6, s4  }
0xa: {  	s22 =	sshrl.u32 s21, $0x1;
	s23 =	sshrl.u32 s8, $0x2;
	s24 =	sshll.u32 s16, $0x7  }
0xb: {  	s30 =	sadd.s32 s15, s10;
	s31 =	sadd.s32 s28, s11;
	s15 =	simm.s32 $0x1  }
0xc: {  	p1 =	sgt.u32 s16, $0x10;
	s16 =	simm.s32 $0x0;
	s5 =	sadd.s32 s6, s5  }
0xd: {  	s13 =	ssub.s32 s21, s22;
	s14 =	sadd.s32 s23, s2;
	s25 =	sor.u32 $0x13000, s24  }
0xe: {  	s9 =	sadd.s32 s17, s30;
	s12 =	sadd.s32 s5, s4;
	s4 =	sadd.s32 $0x27A600, s7  }
0xf: {  	s26 =	sshrl.u32 s25, $0x3;
	s6 =	sshll.u32 s25, $0x4;
	s8 =	smax.u32 s13, $0x1  }
0x10: {  	s13 =	simm.s32 $0x2;
	s5 =	sadd.s32 s11, s26;
	s6 =	sadd.s32 s10, s6  }
0x11: {  	s7 =	sadd.s32 $0x2A1800, s12;
	s11 =	sshll.u32 @!p0 s1, $0x6;
	s10 =	sadd.s32 s29, s31  }
0x12: {  	s12 =	sshrl.u32 @!p0 s14, $0x3;
	s14 =	simm.s32 $0x80;
	s11 =	sor.u32 @!p0 $0x1C02, s11  }
.LBB2_1:
0x13: {  	[spmem:s12], [sflag:s11] =	dma.local @!p0 [hbm:s4], $0x3E80  }
0x14: {  	s17 =	simm.s32 @!p0 $0x2  }
0x15: {  	_ =	swait.ge @!p0 [sflag:s17], $0x3E80  }
0x16: {  	[sflag:s17] =	ssyncset.done @!p0 $0x0  }
0x17: {  	[sflag:s17] =	ssyncadd.s32 @!p0 $0xFFFFC180  }
0x18: {  	s31 =	sadd.s32 $0x0, s10;
	[bflag:$0x0] =	sbarrier.arrive $0xFFFF  }
0x19: {  	[tilespmem:s3], [sflag:$0x2] =	stream.linear.gather [hbm4b:s31+s3], $0x80, $0x38;
	[tilespmem:$0x17900] =	vst v63  }
0x1a: {  	_ =	swait.ge [sflag:s13], $0x80  }
0x1b: {  	[sflag:s13] =	ssyncset.done $0x0  }
0x1c: {  	[sflag:s13] =	ssyncadd.s32 $0xFFFFFF80  }
0x1d: {  	[tilespmem:s14], [sflag:$0x2] =	stream.linear.gather [hbm4b:s9+s3], $0x4000, $0x38;
	[tilespmem:$0x17900] =	vst v63  }
0x1e: {  	_ =	swait.ge [sflag:s13], $0x4000  }
0x1f: {  	[sflag:s13] =	ssyncset.done $0x0  }
0x20: {  	[sflag:s13] =	ssyncadd.s32 $0xFFFFC000  }
0x21: {  	[spmem:s2] =	stream.indirect.scatter.add.f32 [tilespmem:s14], [sflag:$0x1], $0x80, s3, s14, $0xb8;
	[tilespmem:$0x17900] =	vst v63  }
0x22: {  	s18 =	simm.s32 $0x10;
	_ =	swait.ge [sflag:s15], $0x4000  }
0x23: {  	s19 =	simm.s32 $0x20;
	s17 =	sadd.s32 $0x800, s9;
	[sflag:s15] =	ssyncset.done $0x0  }
.LBB2_2:
0x24: {  	s20 =	sadd.s32 s18, s10  }
0x25: {  	[sflag:s15] =	ssyncadd.s32 $0xFFFFC000;
	s18 =	smov.u32 s19;
	s21 =	sadd.s32 $0x10, s19  }
0x26: {  	[tilespmem:s3], [sflag:$0x2] =	stream.linear.gather [hbm4b:s20+s3], $0x80, $0x38;
	[tilespmem:$0x17900] =	vst v63  }
0x27: {  	p2 =	sne.s32 s19, $0x120;
	_ =	swait.ge [sflag:s13], $0x80  }
0x28: {  	[sflag:s13] =	ssyncset.done $0x0  }
0x29: {  	[sflag:s13] =	ssyncadd.s32 $0xFFFFFF80  }
0x2a: {  	[tilespmem:s14], [sflag:$0x2] =	stream.linear.gather [hbm4b:s17+s3], $0x4000, $0x38;
	[tilespmem:$0x17900] =	vst v63  }
0x2b: {  	_ =	swait.ge [sflag:s13], $0x4000  }
.Ltmp0:
0x2c: {  	[sflag:s13] =	ssyncset.done $0x0;
	(pc) =	sbr.rel @p2 .LBB2_2-.Ltmp0, $4  }
0x2d: {  	[sflag:s13] =	ssyncadd.s32 $0xFFFFC000  }
0x2e: {  	[spmem:s2] =	stream.indirect.scatter.add.f32 [tilespmem:s14], [sflag:$0x1], $0x80, s3, s14, $0xb8;
	[tilespmem:$0x17900] =	vst v63  }
0x2f: {  	_ =	swait.ge [sflag:s15], $0x4000  }
0x30: {  	s19 =	smov.u32 s21;
	s17 =	sadd.s32 $0x800, s17;
	[sflag:s15] =	ssyncset.done $0x0  }
0x31: {  	s18 =	sadd.s32 s18, s10;
	[sflag:s15] =	ssyncadd.s32 $0xFFFFC000  }
0x32: {  	[tilespmem:s3], [sflag:$0x2] =	stream.linear.gather [hbm4b:s18+s3], $0x80, $0x38;
	[tilespmem:$0x17900] =	vst v63  }
0x33: {  	_ =	swait.ge [sflag:s13], $0x80  }
0x34: {  	[sflag:s13] =	ssyncset.done $0x0  }
0x35: {  	[sflag:s13] =	ssyncadd.s32 $0xFFFFFF80  }
0x36: {  	[tilespmem:s14], [sflag:$0x2] =	stream.linear.gather [hbm4b:s17+s3], $0x4000, $0x38;
	[tilespmem:$0x17900] =	vst v63  }
0x37: {  	_ =	swait.ge [sflag:s13], $0x4000  }
0x38: {  	[sflag:s13] =	ssyncset.done $0x0  }
0x39: {  	[sflag:s13] =	ssyncadd.s32 $0xFFFFC000  }
0x3a: {  	[spmem:s2] =	stream.indirect.scatter.add.f32 [tilespmem:s14], [sflag:$0x1], $0x80, s3, s14, $0xb8;
	[tilespmem:$0x17900] =	vst v63  }
0x3b: {  	_ =	swait.ge [sflag:s15], $0x4000  }
0x3c: {  	[sflag:s15] =	ssyncset.done $0x0  }
0x3d: {  	s18 =	simm.s32 @!p1 $0x2;
	s17 =	simm.s32 @!p1 $0x0;
	[sflag:s15] =	ssyncadd.s32 $0xFFFFC000  }
0x3e: {  	[tilespmem:s17], [sflag:$0x2] =	stream.linear.gather @!p1 [hbm4b:s5+s17], $0x80, $0x38;
	[tilespmem:$0x17900] =	vst v63  }
0x3f: {  	_ =	swait.ge @!p1 [sflag:s18], $0x80  }
0x40: {  	[sflag:s18] =	ssyncset.done @!p1 $0x0  }
0x41: {  	s19 =	simm.s32 @!p1 $0x80;
	[sflag:s18] =	ssyncadd.s32 @!p1 $0xFFFFFF80  }
0x42: {  	[tilespmem:s19], [sflag:$0x2] =	stream.linear.gather @!p1 [hbm4b:s6+s17], $0x4000, $0x38;
	[tilespmem:$0x17900] =	vst v63  }
0x43: {  	_ =	swait.ge @!p1 [sflag:s18], $0x4000  }
0x44: {  	[sflag:s18] =	ssyncset.done @!p1 $0x0  }
0x45: {  	[sflag:s18] =	ssyncadd.s32 @!p1 $0xFFFFC000  }
0x46: {  	[spmem:s2] =	stream.indirect.scatter.add.f32 @!p1 [tilespmem:s19], [sflag:$0x1], $0x80, s17, s19, $0xb8;
	[tilespmem:$0x17900] =	vst v63  }
0x47: {  	s17 =	simm.s32 @!p1 $0x1  }
0x48: {  	_ =	swait.ge @!p1 [sflag:s17], $0x4000  }
0x49: {  	s16 =	sadd.s32 $0x1, s16;
	[sflag:s17] =	ssyncset.done @!p1 $0x0  }
0x4a: {  	p2 =	sne.s32 s16, s8;
	[sflag:s17] =	ssyncadd.s32 @!p1 $0xFFFFC000  }
.Ltmp1:
0x4b: {  	s17 =	simm.s32 @!p0 $0x2;
	[bflag:$0x0] =	sbarrier.arrive $0xFFFF;
	(pc) =	sbr.rel @p2 .LBB2_1-.Ltmp1, $4  }
0x4c: {  	[hbm:s7], [sflag:s11] =	dma.local @!p0 [spmem:s12], $0x3E80  }
0x4d: {  	_ =	swait.ge @!p0 [sflag:s17], $0x3E80  }
0x4e: {  	[sflag:s17] =	ssyncset.done @!p0 $0x0  }
0x4f: {  	[sflag:s17] =	ssyncadd.s32 @!p0 $0xFFFFC180  }
0x50: {  	_ =	sfence.sel $0x180000  }
0x51: {  	[bflag:$0x0] =	sbarrier.arrive $0xFFFF  }
0x52: {  	p0 =	sne.s32 s1, $0x0;
	_ =	strace $0x9000004D  }
0x53: {  	s0 =	sadd.s32 @!p0 $0x100000, s0;
	[bflag:$0x2] =	sbarrier.arrive $0xFFFF  }
0x54: {  	[sflag:s0] =	ssyncadd.tile.s32 @!p0 $0x1;
	_ =	shalt  }
.Lfunc_end2:
_tile_overlayer_lowered:
.L_overlay_start_2:
0x55: {  	(tag) =	ssettag $0x2  }
0x56: {  	s0 =	rddreg [dreg:$0x0];
	s2 =	stileid.u32  }
0x57: {  	s1 =	rddreg [dreg:$0x1];
	p0 =	sne.s32 s2, $0x0  }
0x58: {  	s3 =	rddreg [dreg:$0x2];
	[bflag:$0x3] =	sbarrier.arrive $0xFFFF;
	s2 =	simm.s32 @!p0 $0x1C02  }
0x59: {  	[timem:s3], [sflag:s2] =	dma.local @!p0 [hbm:s0], s1  }
0x5a: {  	s0 =	simm.s32 @!p0 $0x2  }
0x5b: {  	_ =	swait.ge @!p0 [sflag:s0], s1  }
0x5c: {  	s1 =	ssub.s32 @!p0 $0x0, s1;
	[sflag:s0] =	ssyncset.done @!p0 $0x0  }
0x5d: {  	[sflag:s0] =	ssyncadd.s32 @!p0 s1  }
0x5e: {  	[bflag:$0x3] =	sbarrier.arrive $0xFFFF  }
0x5f: {  	_ =	shalt  }

// kernel: kernel.9.cloned.1.call-start
scs
__scs_entry_jumppad:
0x0: {  	(pc) =	sbr.rel $0x88, $3  }
0x1: {  	(tag) =	ssettag $0x0;
	lr =	simm.s32 $0x1  }
0x2: {  	[smem:$0x3F95] =	sst lr;
	_ =	strace $0xD0000000  }
0x3: {  	_ = 	snop  }
0x4: {  	_ = 	snop  }
0x5: {  	_ = 	snop  }
0x6: {  	_ = 	snop  }
0x7: {  	_ = 	snop  }
__scs_overlays_trampoline_lowered:
0x8: {  	[smem:$0x3FA4] =	sst s0  }
0x9: {  	[smem:$0x3FA5] =	sst s1  }
0xa: {  	[smem:$0x3FA6] =	sst s2  }
0xb: {  	[smem:$0x3FA7] =	sst s3  }
0xc: {  	[smem:$0x3FA8] =	sst s4  }
0xd: {  	[smem:$0x3FA9] =	sst s5  }
0xe: {  	[smem:$0x3FAA] =	sst s6  }
0xf: {  	[smem:$0x3FAB] =	sst s7  }
0x10: {  	[smem:$0x3FAC] =	sst s8  }
0x11: {  	[smem:$0x3FAD] =	sst s9;
	s0 =	simm.s32 @!p0 $0x0  }
0x12: {  	s1 =	sld [smem:$0x3F93];
	s0 =	simm.s32 @p0 $0x1  }
0x13: {  	[smem:$0x3FAE] =	sst s0;
	s0 =	simm.s32 @!p1 $0x0  }
0x14: {  	s2 =	sld [smem:$0x3F92];
	s0 =	simm.s32 @p1 $0x1  }
0x15: {  	[smem:$0x3FAF] =	sst s0;
	s0 =	simm.s32 @!p2 $0x0  }
0x16: {  	s3 =	sld [smem:$0x3FDB];
	s0 =	simm.s32 @p2 $0x1  }
0x17: {  	s4 =	simm.s32 $0x1BF5;
	[smem:$0x3FB1] =	sst s0  }
0x18: {  	s0 =	sld [smem:$0x3F94];
	_ =	swait.ge [sflag:s4], $0x0  }
0x19: {  	s7 =	sld [smem:$0x3F95]  }
0x1a: {  	s8 =	sadd.s32 $0xFFFFE003, lr  }
0x1b: {  	s9 =	sadd.s32 $0xFFFFFEF7, lr;
	s5 =	simm.s32 $0xFFFFFFFF;
	p2 =	slt.u32 s8, $0xFFFFF086  }
0x1c: {  	p1 =	slt.u32 s9, $0xF7A;
	s5 =	simm.s32 @!p2 $0x0  }
0x1d: {  	s5 =	simm.s32 @p1 $0x1;
	p0 =	seq.s32 s7, s2  }
0x1e: {  	s7 =	smul.u32 @!p0 $0xF7A, s2;
	p2 =	seq.s32 @!p0 s5, $0x0  }
0x1f: {  	s9 =	smul.u32 $0xF7A, s1;
	s8 =	simm.s32 @!p0 $0x1BF5;
	p2 =	por !p2, p0  }
0x20: {  	[sflag:s8] =	ssyncset.s32 @!p0 $0xFFFFF086;
	s6 =	sadd.s32 @!p0 s3, s7;
	s7 =	simm.s32 @!p0 $0x108  }
0x21: {  	s3 =	sadd.s32 s3, s9;
	s6 =	sadd.s32 @!p0 $0x88, s6;
	s7 =	simm.s32 @p2 $0x1082  }
0x22: {  	[simem:s7], [sflag:s8] =	dma.local @!p0 [hbm:s6], $0xF7A  }
0x23: {  	s9 =	sor.u32 $0xD0000000, s2;
	s6 =	simm.s32 $0x108;
	_ =	swait.ge @!p0 [sflag:s8], $0x0  }
0x24: {  	s3 =	sadd.s32 $0x88, s3;
	s6 =	simm.s32 @!p1 $0x1082;
	[sflag:s4] =	ssyncset.s32 $0xFFFFF086  }
0x25: {  	[simem:s6], [sflag:s4] =	dma.local [hbm:s3], $0xF7A  }
0x26: {  	[smem:$0x3F95] =	sst s1;
	(tag) =	ssettag s2;
	_ =	strace s9  }
0x27: {  	s1 =	sld [smem:$0x3FA5]  }
0x28: {  	s2 =	sld [smem:$0x3FA6]  }
0x29: {  	s4 =	sld [smem:$0x3FA8]  }
0x2a: {  	p0 =	seq.s32 s5, $0x0;
	s5 =	sld [smem:$0x3FA9]  }
0x2b: {  	s6 =	sld [smem:$0x3FAA]  }
0x2c: {  	s7 =	sld [smem:$0x3FAB]  }
0x2d: {  	s3 =	simm.s32 $0x108;
	s8 =	sld [smem:$0x3FAC]  }
0x2e: {  	s3 =	simm.s32 @!p0 $0x1082;
	s9 =	sld [smem:$0x3FAD]  }
0x2f: {  	lr =	sadd.s32 s0, s3;
	s0 =	sld [smem:$0x3FA4]  }
0x30: {  	s3 =	sld [smem:$0x3FA7]  }
0x31: {  	[smem:$0x3FB0] =	sst s10  }
0x32: {  	s10 =	sld [smem:$0x3FAE];
	_ =	sdelay $0x3  }
0x33: {  	p0 =	seq.s32 s10, $0x1;
	s10 =	sld [smem:$0x3FB0];
	_ =	sdelay $0x3  }
0x34: {  	[smem:$0x3FB0] =	sst s10  }
0x35: {  	s10 =	sld [smem:$0x3FAF];
	_ =	sdelay $0x3  }
0x36: {  	p1 =	seq.s32 s10, $0x1;
	s10 =	sld [smem:$0x3FB0];
	_ =	sdelay $0x3  }
0x37: {  	[smem:$0x3FB0] =	sst s10  }
0x38: {  	s10 =	sld [smem:$0x3FB1]  }
0x39: {  	_ = 	snop;
	(pc) =	sbr.ind lr, $3  }
0x3a: {  	_ = 	snop  }
0x3b: {  	_ = 	snop  }
0x3c: {  	p2 =	seq.s32 s10, $0x1;
	s10 =	sld [smem:$0x3FB0]  }
0x3d: {  	_ =	shalt  }
0x3e: {  	_ =	shalt  }
0x3f: {  	_ =	shalt  }
0x40: {  	_ =	shalt  }
0x41: {  	_ =	shalt  }
0x42: {  	_ =	shalt  }
0x43: {  	_ =	shalt  }
0x44: {  	_ =	shalt  }
0x45: {  	_ =	shalt  }
0x46: {  	_ =	shalt  }
0x47: {  	_ =	shalt  }
0x48: {  	_ =	shalt  }
0x49: {  	_ =	shalt  }
0x4a: {  	_ =	shalt  }
0x4b: {  	_ =	shalt  }
0x4c: {  	_ =	shalt  }
0x4d: {  	_ =	shalt  }
0x4e: {  	_ =	shalt  }
0x4f: {  	_ =	shalt  }
0x50: {  	_ =	shalt  }
0x51: {  	_ =	shalt  }
0x52: {  	_ =	shalt  }
0x53: {  	_ =	shalt  }
0x54: {  	_ =	shalt  }
0x55: {  	_ =	shalt  }
0x56: {  	_ =	shalt  }
0x57: {  	_ =	shalt  }
0x58: {  	_ =	shalt  }
0x59: {  	_ =	shalt  }
0x5a: {  	_ =	shalt  }
0x5b: {  	_ =	shalt  }
0x5c: {  	_ =	shalt  }
0x5d: {  	_ =	shalt  }
0x5e: {  	_ =	shalt  }
0x5f: {  	_ =	shalt  }
0x60: {  	_ =	shalt  }
0x61: {  	_ =	shalt  }
0x62: {  	_ =	shalt  }
0x63: {  	_ =	shalt  }
0x64: {  	_ =	shalt  }
0x65: {  	_ =	shalt  }
0x66: {  	_ =	shalt  }
0x67: {  	_ =	shalt  }
0x68: {  	_ =	shalt  }
0x69: {  	_ =	shalt  }
0x6a: {  	_ =	shalt  }
0x6b: {  	_ =	shalt  }
0x6c: {  	_ =	shalt  }
0x6d: {  	_ =	shalt  }
0x6e: {  	_ =	shalt  }
0x6f: {  	_ =	shalt  }
0x70: {  	_ =	shalt  }
0x71: {  	_ =	shalt  }
0x72: {  	_ =	shalt  }
0x73: {  	_ =	shalt  }
0x74: {  	_ =	shalt  }
0x75: {  	_ =	shalt  }
0x76: {  	_ =	shalt  }
0x77: {  	_ =	shalt  }
0x78: {  	_ =	shalt  }
0x79: {  	_ =	shalt  }
0x7a: {  	_ =	shalt  }
0x7b: {  	_ =	shalt  }
0x7c: {  	_ =	shalt  }
0x7d: {  	_ =	shalt  }
0x7e: {  	_ =	shalt  }
0x7f: {  	_ =	shalt  }
0x80: {  	_ =	shalt  }
0x81: {  	_ =	shalt  }
0x82: {  	_ =	shalt  }
0x83: {  	_ =	shalt  }
0x84: {  	_ =	shalt  }
0x85: {  	_ =	shalt  }
0x86: {  	_ =	shalt  }
0x87: {  	_ =	shalt  }
.Lfunc_end0:
.L_simem_size_0:
called_computation_lowered:
.L_overlay_start_0:
0x88: {  	s2 =	sld [smem:$0x3FD9]  }
0x89: {  	s3 =	sld [smem:$0x3FFE];
	_ =	sdelay $0x1  }
0x8a: {  	s1 =	srdreg.scid  }
0x8b: {  	s0 =	sand.u32 $0x1, s1  }
0x8c: {  	s17 =	sshll.u32 s0, $0xA;
	s2 =	sadd.s32 s3, s2  }
0x8d: {  	s2 =	sadd.s32 s2, s17  }
0x8e: {  	[smem:$0x3FBC] =	sst s2  }
0x8f: {  	_ = 	snop  }
0x90: {  	s18 =	sld [smem:$0x3FC9];
	(tm) =	ssettm $0x1  }
0x91: {  	s19 =	sld [smem:$0x3FFB];
	_ =	sdelay $0x3  }
0x92: {  	_ =	strace s19  }
0x93: {  	s2 =	sld [smem:$0x3FFC];
	_ =	sdelay $0x3  }
0x94: {  	_ =	strace s2  }
0x95: {  	s2 =	sld [smem:$0x3FFD];
	_ =	sdelay $0x3  }
0x96: {  	_ =	strace s2  }
0x97: {  	_ =	strace $0x8FFFFFFF  }
0x98: {  	s20 =	sld [smem:$0x3FDB];
	_ =	sdelay $0x1  }
0x99: {  	s4 =	simm.s32 $_scs_section_size  }
0x9a: {  	s5 =	simm.s32 $_size__tile_overlayer_lowered;
	s6 =	simm.s32 $_tile_overlayer_lowered  }
0x9b: {  	s7 =	simm.s32 $0x1BFF;
	s21 =	sshll.u32 s6, $0x1;
	s4 =	sadd.s32 s4, s20  }
0x9c: {  	s22 =	simm.s32 $0x0;
	s5 =	sshll.u32 s5, $0x1;
	s6 =	sadd.s32 s21, s4  }
0x9d: {  	[timem:s22], [sflag:s7] =	dma.local [hbm:s6], s5  }
0x9e: {  	_ =	swait.ge [sflag:s7], s5  }
0x9f: {  	s5 =	ssub.s32 $0x0, s5;
	[sflag:s7] =	ssyncset.done $0x0  }
0xa0: {  	[sflag:s7] =	ssyncadd.s32 s5;
	_ =	sdelay $0x1  }
0xa1: {  	s23 =	simm.s32 $0x1B8B  }
0xa2: {  	_ =	swait.ge [sflag:s23], $0x1  }
0xa3: {  	[sflag:s23] =	ssyncset.done $0x0  }
0xa4: {  	[sflag:s23] =	ssyncadd.s32 $0xFFFFFFFF  }
0xa5: {  	s5 =	sld [smem:$0x0]  }
0xa6: {  	s6 =	sand.u32 $0xFFFFFFFE, s1  }
0xa7: {  	p0 =	sne.s32 s1, s6  }
0xa8: {  	s6 =	sshll.u32 @p0 s6, $0xE  }
0xa9: {  	s6 =	sadd.s32 @p0 $0x11B8D, s6;
	s7 =	sshll.u32 @p0 s5, $0x11  }
0xaa: {  	s6 =	sor.u32 @p0 s7, s6  }
0xab: {  	[sflag:s6] =	ssyncadd.remote.s32 @p0 $0x1;
	_ =	sdelay $0x1  }
0xac: {  	s6 =	simm.s32 @p0 $0x1B8D  }
0xad: {  	_ =	swait.eq @p0 [sflag:s6], $0x1  }
0xae: {  	[sflag:s6] =	ssyncadd.s32 @p0 $0xFFFFFFFF  }
0xaf: {  	s7 =	sshll.u32 @!p0 s1, $0xE  }
0xb0: {  	s7 =	sor.u32 @!p0 $0x4000, s7;
	s6 =	simm.s32 @!p0 $0x1B8D  }
0xb1: {  	s5 =	sshll.u32 @!p0 s5, $0x11;
	s7 =	sadd.s32 @!p0 $0x11B8D, s7;
	_ =	swait.eq @!p0 [sflag:s6], $0x1  }
0xb2: {  	s5 =	sor.u32 @!p0 s5, s7;
	[sflag:s6] =	ssyncadd.s32 @!p0 $0xFFFFFFFF  }
0xb3: {  	s25 =	simm.s32 $0x1B8E;
	s24 =	sld [smem:$0x3FFE];
	[sflag:s5] =	ssyncadd.remote.s32 @!p0 $0x1  }
0xb4: {  	s26 =	simm.s32 $execute0_lowered;
	[smem:$0x3FD2] =	sst s25  }
0xb5: {  	s6 =	sshll.u32 s26, $0x1;
	_ =	strace $0x80000049;
	[dreg:$0x1] =	wrdreg $0xFFFFFFFF  }
0xb6: {  	s28 =	simm.s32 $_size_execute0_lowered;
	s4 =	sadd.s32 s4, s6;
	[dreg:$0x0] =	wrdreg $0x0  }
0xb7: {  	s6 =	sshll.u32 s28, $0x1;
	[dreg:$0x2] =	wrdreg s4  }
0xb8: {  	[dreg:$0x3] =	wrdreg s6  }
0xb9: {  	[dreg:$0x4] =	wrdreg $0xC0  }
0xba: {  	_ =	task [dreg:s22], $0x5FFFF  }
0xbb: {  	[dreg:$0x1] =	wrdreg $0xFFFFFFFF  }
0xbc: {  	[dreg:$0x0] =	wrdreg $0x60  }
0xbd: {  	[dreg:$0x2] =	wrdreg s18  }
0xbe: {  	[dreg:$0x3] =	wrdreg s24  }
0xbf: {  	[dreg:$0x4] =	wrdreg $0x9  }
0xc0: {  	_ =	task.clear_ibuf [dreg:s22], $0x5FFFF;
	_ =	strace $0x90000049  }
0xc1: {  	s29 =	simm.s32 $0x9;
	_ =	strace $0x8000004B  }
0xc2: {  	_ =	swait.ge [sflag:s29], $0x1  }
0xc3: {  	[sflag:s29] =	ssyncadd.s32 $0xFFFFFFFF  }
0xc4: {  	_ =	strace $0x9000004B  }
0xc5: {  	_ =	sfence  }
0xc6: {  	s30 =	sld [smem:$0x0];
	_ =	sdelay $0x2  }
0xc7: {  	s31 =	sshll.u32 s1, $0xD;
	s1 =	sshrl.u32 s1, $0x2  }
0xc8: {  	s4 =	sand.u32 $0x4000, s31;
	s1 =	sadd.s32 s1, s30  }
0xc9: {  	s0 =	sor.u32 s4, s0;
	s1 =	sshll.u32 s1, $0x11  }
0xca: {  	s0 =	sor.u32 s1, s0  }
0xcb: {  	s0 =	sadd.s32 $0x8F2B, s0  }
0xcc: {  	[sflag:s0] =	ssyncadd.remote.s32 $0x1  }
0xcd: {  	_ =	sfence.sel $0xFFFF  }
0xce: {  	[dreg:$0x0] =	wrdreg $0xFFFFFFFF;
	(pc) =	sbr.abs _section_cstart, $3  }
0xcf: {  	[dreg:$0x1] =	wrdreg $0xFFFFFFFF  }
0xd0: {  	_ =	task.clear_ibuf [dreg:s22], $0x2FFFF;
	_ =	strace $0x9FFFFFFF  }
0xd1: {  	(tm) =	ssettm $0x7FFFFFFF  }
tec
execute0_lowered:
.L_overlay_start_1:
0x0: {  	(tag) =	ssettag $0x1  }
0x1: {  	s1 =	rddreg [dreg:$0x0]  }
0x2: {  	s4 =	rddreg [dreg:$0x1]  }
0x3: {  	s0 =	rddreg [dreg:$0x2]  }
0x4: {  	s3 =	simm.s32 $0x0;
	s5 =	srdreg.scid;
	s2 =	stileid.u32  }
0x5: {  	[smem:$0x7FF] =	sst s3;
	s6 =	sand.u32 $0x1, s5;
	s30 =	smul.u32 $0x13000, s2  }
0x6: {  	s25 =	sshll.u32 s2, $0x1;
	s8 =	sadd.s32 $0x13CE00, s4;
	s13 =	smul.u32 $0x260, s2  }
0x7: {  	s26 =	sadd.s32 $0x141E00, s4;
	s7 =	ssub.s32 $0x2, s6;
	s11 =	smul.u32 $0x9800, s6  }
0x8: {  	s12 =	sor.u32 s6, s25;
	_ =	strace $0x8000004A;
	s31 =	smul.u32 $0x130, s6  }
0x9: {  	s28 =	sshrl.u32 s7, $0x1;
	s9 =	sshll.u32 s12, $0x7;
	p0 =	sgt.u32 s12, $0x10  }
0xa: {  	s12 =	simm.s32 $0x0;
	s7 =	ssub.s32 s7, s28;
	s29 =	sor.u32 $0x13000, s9  }
0xb: {  	s9 =	sadd.s32 s30, s26;
	s10 =	sshrl.u32 s29, $0x3;
	s4 =	sshll.u32 s29, $0x4  }
0xc: {  	s6 =	smax.u32 s7, $0x1;
	s7 =	sadd.s32 s11, s9;
	s9 =	simm.s32 $0x2  }
0xd: {  	s11 =	simm.s32 $0x1;
	s5 =	sadd.s32 s8, s10;
	s8 =	sadd.s32 s13, s8  }
0xe: {  	s4 =	sadd.s32 s26, s4;
	s10 =	simm.s32 $0x80;
	s8 =	sadd.s32 s31, s8  }
.LBB2_1:
0xf: {  	s13 =	sadd.s32 $0x0, s8  }
0x10: {  	[tilespmem:s3], [sflag:$0x2] =	stream.linear.gather [hbm4b:s13+s3], $0x80, $0x38;
	[tilespmem:$0x4080] =	vst v63  }
0x11: {  	_ =	swait.ge [sflag:s9], $0x80  }
0x12: {  	[sflag:s9] =	ssyncset.done $0x0  }
0x13: {  	[sflag:s9] =	ssyncadd.s32 $0xFFFFFF80  }
0x14: {  	[tilespmem:s10], [sflag:$0x1] =	stream.indirect.gather [hbm4b:s1+s10], $0x80, s3, s10, $0xb8;
	[tilespmem:$0x4080] =	vst v63  }
0x15: {  	_ =	swait.ge [sflag:s11], $0x4000  }
0x16: {  	[sflag:s11] =	ssyncset.done $0x0  }
0x17: {  	[sflag:s11] =	ssyncadd.s32 $0xFFFFC000  }
0x18: {  	[hbm4b:s7+s3] =	stream.linear.scatter [tilespmem:s10], [sflag:$0x2], $0x4000, $0x38;
	[tilespmem:$0x4080] =	vst v63  }
0x19: {  	s14 =	simm.s32 $0x10;
	_ =	swait.ge [sflag:s9], $0x4000  }
0x1a: {  	s15 =	simm.s32 $0x20;
	s13 =	sadd.s32 $0x800, s7;
	[sflag:s9] =	ssyncset.done $0x0  }
.LBB2_2:
0x1b: {  	s16 =	sadd.s32 s14, s8  }
0x1c: {  	[sflag:s9] =	ssyncadd.s32 $0xFFFFC000;
	s14 =	smov.u32 s15;
	s17 =	sadd.s32 $0x10, s15  }
0x1d: {  	[tilespmem:s3], [sflag:$0x2] =	stream.linear.gather [hbm4b:s16+s3], $0x80, $0x38;
	[tilespmem:$0x4080] =	vst v63  }
0x1e: {  	p1 =	sne.s32 s15, $0x120;
	_ =	swait.ge [sflag:s9], $0x80  }
0x1f: {  	[sflag:s9] =	ssyncset.done $0x0  }
0x20: {  	[sflag:s9] =	ssyncadd.s32 $0xFFFFFF80  }
0x21: {  	[tilespmem:s10], [sflag:$0x1] =	stream.indirect.gather [hbm4b:s1+s10], $0x80, s3, s10, $0xb8;
	[tilespmem:$0x4080] =	vst v63  }
0x22: {  	_ =	swait.ge [sflag:s11], $0x4000  }
.Ltmp0:
0x23: {  	[sflag:s11] =	ssyncset.done $0x0;
	(pc) =	sbr.rel @p1 .LBB2_2-.Ltmp0, $4  }
0x24: {  	[sflag:s11] =	ssyncadd.s32 $0xFFFFC000  }
0x25: {  	[hbm4b:s13+s3] =	stream.linear.scatter [tilespmem:s10], [sflag:$0x2], $0x4000, $0x38;
	[tilespmem:$0x4080] =	vst v63  }
0x26: {  	_ =	swait.ge [sflag:s9], $0x4000  }
0x27: {  	s15 =	smov.u32 s17;
	s13 =	sadd.s32 $0x800, s13;
	[sflag:s9] =	ssyncset.done $0x0  }
0x28: {  	s14 =	sadd.s32 s14, s8;
	[sflag:s9] =	ssyncadd.s32 $0xFFFFC000  }
0x29: {  	[tilespmem:s3], [sflag:$0x2] =	stream.linear.gather [hbm4b:s14+s3], $0x80, $0x38;
	[tilespmem:$0x4080] =	vst v63  }
0x2a: {  	_ =	swait.ge [sflag:s9], $0x80  }
0x2b: {  	[sflag:s9] =	ssyncset.done $0x0  }
0x2c: {  	[sflag:s9] =	ssyncadd.s32 $0xFFFFFF80  }
0x2d: {  	[tilespmem:s10], [sflag:$0x1] =	stream.indirect.gather [hbm4b:s1+s10], $0x80, s3, s10, $0xb8;
	[tilespmem:$0x4080] =	vst v63  }
0x2e: {  	_ =	swait.ge [sflag:s11], $0x4000  }
0x2f: {  	[sflag:s11] =	ssyncset.done $0x0  }
0x30: {  	[sflag:s11] =	ssyncadd.s32 $0xFFFFC000  }
0x31: {  	[hbm4b:s13+s3] =	stream.linear.scatter [tilespmem:s10], [sflag:$0x2], $0x4000, $0x38;
	[tilespmem:$0x4080] =	vst v63  }
0x32: {  	_ =	swait.ge [sflag:s9], $0x4000  }
0x33: {  	[sflag:s9] =	ssyncset.done $0x0  }
0x34: {  	s14 =	simm.s32 @!p0 $0x2;
	s13 =	simm.s32 @!p0 $0x0;
	[sflag:s9] =	ssyncadd.s32 $0xFFFFC000  }
0x35: {  	[tilespmem:s13], [sflag:$0x2] =	stream.linear.gather @!p0 [hbm4b:s5+s13], $0x80, $0x38;
	[tilespmem:$0x4080] =	vst v63  }
0x36: {  	_ =	swait.ge @!p0 [sflag:s14], $0x80  }
0x37: {  	[sflag:s14] =	ssyncset.done @!p0 $0x0  }
0x38: {  	s15 =	simm.s32 @!p0 $0x80;
	s16 =	simm.s32 @!p0 $0x1;
	[sflag:s14] =	ssyncadd.s32 @!p0 $0xFFFFFF80  }
0x39: {  	[tilespmem:s15], [sflag:$0x1] =	stream.indirect.gather @!p0 [hbm4b:s1+s15], $0x80, s13, s15, $0xb8;
	[tilespmem:$0x4080] =	vst v63  }
0x3a: {  	s12 =	sadd.s32 $0x1, s12;
	_ =	swait.ge @!p0 [sflag:s16], $0x4000  }
0x3b: {  	p1 =	sne.s32 s12, s6;
	[sflag:s16] =	ssyncset.done @!p0 $0x0  }
.Ltmp1:
0x3c: {  	[sflag:s16] =	ssyncadd.s32 @!p0 $0xFFFFC000;
	(pc) =	sbr.rel @p1 .LBB2_1-.Ltmp1, $4  }
0x3d: {  	[hbm4b:s4+s13] =	stream.linear.scatter @!p0 [tilespmem:s15], [sflag:$0x2], $0x4000, $0x38;
	[tilespmem:$0x4080] =	vst v63  }
0x3e: {  	_ =	swait.ge @!p0 [sflag:s14], $0x4000  }
0x3f: {  	[sflag:s14] =	ssyncset.done @!p0 $0x0  }
0x40: {  	[sflag:s14] =	ssyncadd.s32 @!p0 $0xFFFFC000  }
0x41: {  	_ =	sfence.sel $0x180000  }
0x42: {  	[bflag:$0x0] =	sbarrier.arrive $0xFFFF  }
0x43: {  	p0 =	sne.s32 s2, $0x0;
	_ =	strace $0x9000004A  }
0x44: {  	s0 =	sadd.s32 @!p0 $0x100000, s0;
	[bflag:$0x2] =	sbarrier.arrive $0xFFFF  }
0x45: {  	[sflag:s0] =	ssyncadd.tile.s32 @!p0 $0x1;
	_ =	shalt  }
.Lfunc_end2:
_tile_overlayer_lowered:
.L_overlay_start_2:
0x46: {  	(tag) =	ssettag $0x2  }
0x47: {  	s0 =	rddreg [dreg:$0x0];
	s2 =	stileid.u32  }
0x48: {  	s1 =	rddreg [dreg:$0x1];
	p0 =	sne.s32 s2, $0x0  }
0x49: {  	s3 =	rddreg [dreg:$0x2];
	[bflag:$0x3] =	sbarrier.arrive $0xFFFF;
	s2 =	simm.s32 @!p0 $0x1C02  }
0x4a: {  	[timem:s3], [sflag:s2] =	dma.local @!p0 [hbm:s0], s1  }
0x4b: {  	s0 =	simm.s32 @!p0 $0x2  }
0x4c: {  	_ =	swait.ge @!p0 [sflag:s0], s1  }
0x4d: {  	s1 =	ssub.s32 @!p0 $0x0, s1;
	[sflag:s0] =	ssyncset.done @!p0 $0x0  }
0x4e: {  	[sflag:s0] =	ssyncadd.s32 @!p0 s1  }
0x4f: {  	[bflag:$0x3] =	sbarrier.arrive $0xFFFF  }
0x50: {  	_ =	shalt  }

</sc_bundles>
